<compile_context>
chip_gen: v7x
topology: tpu7x:2x2x1
jax: 0.10.2.dev20260603
libtpu: 0.0.44.dev20260713+nightly
codegen_flags: <defaults>
</compile_context>

<pallas_src>
import functools

import jax
import jax.numpy as jnp
from jax import lax
from jax.experimental import pallas as pl
from jax.experimental.pallas import tpu as pltpu
from jax.experimental.pallas import tpu_sc as plsc

NODE = 5000
TWO_NODE = 2 * NODE
D = 128
E = 320000
NC, NS = 2, 16
NW = NC * NS
CHUNK = 96
IDX_ROWS = E // D
IDX_ROWS2 = E // D
NCHUNK = 108
E_PAD = NW * NCHUNK * CHUNK
EPW = E_PAD // NW
E_ALLOC = E_PAD + 2 * CHUNK
IDX_ALL = -(-E_ALLOC // D)
ACC_PAD = 10112
ACC_PW = ACC_PAD // NS
DUMP_ROW = TWO_NODE


def _tables_body(x_ref, pw_ref, pb_ref, ws_ref, wd_ref, bd_ref,
                 src_ref, dst_ref):
    h = jnp.dot(x_ref[...], pw_ref[0].T, preferred_element_type=jnp.float32)
    h = h + pb_ref[0, 0]
    src_ref[...] = jnp.dot(h, ws_ref[0].T, preferred_element_type=jnp.float32)
    dst_ref[...] = (jnp.dot(h, wd_ref[0].T, preferred_element_type=jnp.float32)
                    + bd_ref[0, 0])


def _build_tables(x, pw, pb, ws, wd, bd):
    return pl.pallas_call(
        _tables_body,
        grid=(4,),
        in_specs=[
            pl.BlockSpec((NODE, D), lambda i: (i % 2, 0)),
            pl.BlockSpec((1, D, D), lambda i: (i % 2, 0, 0)),
            pl.BlockSpec((1, 1, D), lambda i: (i % 2, 0, 0)),
            pl.BlockSpec((1, D, D), lambda i: (i, 0, 0)),
            pl.BlockSpec((1, D, D), lambda i: (i, 0, 0)),
            pl.BlockSpec((1, 1, D), lambda i: (i, 0, 0)),
        ],
        out_specs=[
            pl.BlockSpec((NODE, D), lambda i: (i, 0)),
            pl.BlockSpec((NODE, D), lambda i: (i, 0)),
        ],
        out_shape=[
            jax.ShapeDtypeStruct((4 * NODE, D), jnp.float32),
            jax.ShapeDtypeStruct((4 * NODE, D), jnp.float32),
        ],
    )(x, pw, pb, ws, wd, bd)


def _idx_body(s_ref, d_ref, si_ref, di_ref, oi_ref):
    s = s_ref[...]
    d = d_ref[...]
    npad = IDX_ALL - IDX_ROWS
    ii = jax.lax.broadcasted_iota(jnp.int32, (npad, D), 1)
    gpad = ii + jax.lax.broadcasted_iota(jnp.int32, (npad, D), 0) * D
    si_ref[...] = jnp.concatenate(
        [s + jnp.where(d >= NODE, TWO_NODE, 0), gpad % (4 * NODE)])
    di_ref[...] = jnp.concatenate(
        [d + jnp.where(s >= NODE, TWO_NODE, 0), gpad % (4 * NODE)])
    oi_ref[...] = jnp.concatenate(
        [d, DUMP_ROW + gpad % (ACC_PAD - DUMP_ROW)])


def _build_indices(src2d, dst2d):
    return pl.pallas_call(
        _idx_body,
        out_shape=[
            jax.ShapeDtypeStruct((IDX_ALL, D), jnp.int32),
            jax.ShapeDtypeStruct((IDX_ALL, D), jnp.int32),
            jax.ShapeDtypeStruct((IDX_ALL, D), jnp.int32),
        ],
    )(src2d, dst2d)


def _edge_body(sidx_hbm, didx_hbm, oidx_hbm, srct_hbm, dstt_hbm, zeros_hbm,
               out_hbm,
               sidx0, sidx1, didx0, didx1, oidx0, oidx1, oidx2, oidx3,
               srows0, srows1, drows0, drows1, acc,
               semi0, semi1, semg0, semg1, semc0, semc1):
    c = lax.axis_index("c")
    s = lax.axis_index("s")
    w = c * NS + s

    sidx = (sidx0, sidx1)
    didx = (didx0, didx1)
    oidx = (oidx0, oidx1, oidx2, oidx3)
    srows = (srows0, srows1)
    drows = (drows0, drows1)
    semi = (semi0, semi1)
    semg = (semg0, semg1)
    semc = (semc0, semc1)

    a0 = pl.multiple_of(s * ACC_PW, 8)
    pltpu.sync_copy(zeros_hbm, acc.at[pl.ds(a0, ACC_PW)])
    plsc.subcore_barrier()

    e0 = pl.multiple_of(w * EPW, 8)

    def idx_descs(i, p, o):
        base = pl.multiple_of(e0 + i * CHUNK, 8)
        return (
            pltpu.make_async_copy(sidx_hbm.at[pl.ds(base, CHUNK)], sidx[p],
                                  semi[p]),
            pltpu.make_async_copy(didx_hbm.at[pl.ds(base, CHUNK)], didx[p],
                                  semi[p]),
            pltpu.make_async_copy(oidx_hbm.at[pl.ds(base, CHUNK)], oidx[o],
                                  semi[p]),
        )

    def gather_descs(p):
        return (
            pltpu.make_async_copy(srct_hbm.at[sidx[p]], srows[p], semg[p]),
            pltpu.make_async_copy(dstt_hbm.at[didx[p]], drows[p], semg[p]),
        )

    def scatter_desc(p, o):
        return pltpu.make_async_copy(srows[p], acc.at[oidx[o]], semc[p])

    for dsc in idx_descs(0, 0, 0):
        dsc.start()
    for dsc in idx_descs(0, 0, 0):
        dsc.wait()
    for dsc in gather_descs(0):
        dsc.start()
    for dsc in idx_descs(1, 1, 1):
        dsc.start()

    @pl.loop(0, NCHUNK // 4)
    def _quad(g):
        for b in (0, 1, 2, 3):
            i = g * 4 + b
            p = b & 1
            q = 1 - p
            for dsc in idx_descs(i + 1, q, (b + 1) % 4):
                dsc.wait()
            if b == 0:
                @pl.when(g > 0)
                def _():
                    scatter_desc(q, 3).wait()
            else:
                scatter_desc(q, (b + 3) % 4).wait()
            for dsc in gather_descs(q):
                dsc.start()
            for dsc in gather_descs(p):
                dsc.wait()

            @pl.loop(0, CHUNK)
            def _row(r):
                for j in range(D // 16):
                    sl = pl.ds(j * 16, 16)
                    v = srows[p][r, sl] + drows[p][r, sl]
                    e = jnp.exp(v)
                    srows[p][r, sl] = 1.0 - 2.0 / (e + 1.0)

            scatter_desc(p, b).start(add=True)
            for dsc in idx_descs(i + 2, p, (b + 2) % 4):
                dsc.start()

    for dsc in gather_descs(0):
        dsc.wait()
    scatter_desc(1, 3).wait()
    for dsc in idx_descs(NCHUNK + 1, 1, 1):
        dsc.wait()

    plsc.subcore_barrier()
    pltpu.sync_copy(acc.at[pl.ds(a0, ACC_PW)],
                    out_hbm.at[c, pl.ds(a0, ACC_PW)])


@functools.cache
def _edge_stage_fn():
    return functools.partial(
        pl.kernel,
        out_type=jax.ShapeDtypeStruct((NC, ACC_PAD, D), jnp.float32),
        mesh=plsc.VectorSubcoreMesh(core_axis_name="c", subcore_axis_name="s",
                                    num_cores=NC, num_subcores=NS),
        scratch_types=(
            [pltpu.VMEM((CHUNK,), jnp.int32)] * 8
            + [pltpu.VMEM((CHUNK, D), jnp.float32)] * 4
            + [pltpu.VMEM_SHARED((ACC_PAD, D), jnp.float32)]
            + [pltpu.SemaphoreType.DMA] * 6
        ),
    )(_edge_body)


def _inter_body(p_ref, w_ref, b_ref, out_ref):
    m = 0.5 * (p_ref[0] + p_ref[1])
    out_ref[...] = (jnp.dot(m, w_ref[0].T, preferred_element_type=jnp.float32)
                    + b_ref[0, 0])


def _inter(partials, iw, ib):
    return pl.pallas_call(
        _inter_body,
        grid=(2,),
        in_specs=[
            pl.BlockSpec((NC, NODE, D), lambda i: (0, i, 0)),
            pl.BlockSpec((1, D, D), lambda i: (i, 0, 0)),
            pl.BlockSpec((1, 1, D), lambda i: (i, 0, 0)),
        ],
        out_specs=pl.BlockSpec((NODE, D), lambda i: (i, 0)),
        out_shape=jax.ShapeDtypeStruct((TWO_NODE, D), jnp.float32),
    )(partials, iw, ib)


def _one_batch(xb, ei, pw, pb, ws, wd, bd, iw, ib, zeros):
    src_t, dst_t = _build_tables(xb, pw, pb, ws, wd, bd)
    src2d = ei[0].reshape(IDX_ROWS2, D)
    dst2d = ei[1].reshape(IDX_ROWS2, D)
    sidx, didx, oidx = _build_indices(src2d, dst2d)
    partials = _edge_stage_fn()(sidx.reshape(-1), didx.reshape(-1),
                                oidx.reshape(-1), src_t, dst_t, zeros)
    return _inter(partials, iw, ib)


def kernel(x, edge_index, edge_attr, params):
    p = params
    pw = jnp.stack([p['proj_s_W'], p['proj_t_W']])
    pb = jnp.stack([p['proj_s_b'], p['proj_t_b']])[:, None, :]
    ws = jnp.stack([p['intra_s2s_W'], p['intra_t2s_W'],
                    p['intra_s2t_W'], p['intra_t2t_W']])
    wd = jnp.stack([p['intra_s2s_W'], p['intra_s2t_W'],
                    p['intra_t2s_W'], p['intra_t2t_W']])
    bd = 2.0 * jnp.stack([p['intra_s2s_b'], p['intra_s2t_b'],
                          p['intra_t2s_b'], p['intra_t2t_b']])[:, None, :]
    iw = jnp.stack([p['inter_s_W'], p['inter_t_W']])
    ib = jnp.stack([p['inter_s_b'], p['inter_t_b']])[:, None, :]
    zeros = jnp.zeros((ACC_PW, D), jnp.float32)
    outs = [_one_batch(x[bi], edge_index[bi], pw, pb, ws, wd, bd, iw, ib,
                       zeros)
            for bi in range(x.shape[0])]
    return jnp.stack(outs)

# --- scband reference (transcript-rebuilt; emitter-appended) ---
"""Pipeline reference for scband-magnn-65498251264557 (READ-ONLY COPY).

The authoritative reference and input builder live on the scoring server;
editing this copy changes nothing except your own understanding.
"""

import jax, jax.numpy as jnp
import numpy as np

NODE_NUM = 5000
D = 128
N_EDGES = 320000


def _linear(x, W, b):
    return x @ W.T + b


def _conv_edge(h_src, h_dst, e, W, b):
    # MAGNNConv.message with heads=1: metapath = cat([x_j, x_i], dim=1) over the head dim
    # ([E,1,D] cat [E,1,D] -> [E,2,D]); MetapathEncoder: mean over dim=1 then Linear; tanh;
    # then scatter-add aggregation to destination nodes (aggr='add').
    src, dst, m = e
    si = jnp.where(m, src, 0)
    di = jnp.where(m, dst, 0)
    x_j = h_src[si]
    x_i = h_dst[di]
    mp = (x_j + x_i) * 0.5
    msg = jnp.tanh(_linear(mp, W, b)) * m[:, None].astype(h_src.dtype)
    return jax.ops.segment_sum(msg, di, num_segments=h_dst.shape[0])


def _split_edges(ei, node_num):
    src, dst = ei[0], ei[1]
    nn_m = (src < node_num) & (dst < node_num)
    tt_m = (src >= node_num) & (dst >= node_num)
    nt_m = (src < node_num) & (dst >= node_num)
    tn_m = (src >= node_num) & (dst < node_num)
    e_nn = (src, dst, nn_m)
    e_tt = (src - node_num, dst - node_num, tt_m)
    e_nt = (src, dst - node_num, nt_m)
    e_tn = (src - node_num, dst, tn_m)
    return e_nn, e_tt, e_nt, e_tn


def _magnn_layer(xb, edges, params, node_num):
    e_nn, e_tt, e_nt, e_tn = edges
    x_s = xb[:node_num]
    x_t = xb[node_num:]
    # per-node-type projection
    h_s = _linear(x_s, params['proj_s_W'], params['proj_s_b'])
    h_t = _linear(x_t, params['proj_t_W'], params['proj_t_b'])
    # propagate per edge type (order: s2s, t2t, s2t, t2s)
    out_s2s = _conv_edge(h_s, h_s, e_nn, params['intra_s2s_W'], params['intra_s2s_b'])
    out_t2t = _conv_edge(h_t, h_t, e_tt, params['intra_t2t_W'], params['intra_t2t_b'])
    out_s2t = _conv_edge(h_s, h_t, e_nt, params['intra_s2t_W'], params['intra_s2t_b'])
    out_t2s = _conv_edge(h_t, h_s, e_tn, params['intra_t2s_W'], params['intra_t2s_b'])
    # inter-metapath aggregation: stack outs per dst node type, mean over metapath dim, Linear
    stk_s = jnp.stack([out_s2s, out_t2s], axis=1)
    stk_t = jnp.stack([out_t2t, out_s2t], axis=1)
    out_s = _linear(jnp.mean(stk_s, axis=1), params['inter_s_W'], params['inter_s_b'])
    out_t = _linear(jnp.mean(stk_t, axis=1), params['inter_t_W'], params['inter_t_b'])
    return jnp.concatenate([out_s, out_t], axis=0)


def setup_inputs(seed: int = 0):
    key = jax.random.key(seed)
    ks = jax.random.split(key, 24)
    x = jax.random.normal(ks[0], (1, 2 * NODE_NUM, D), dtype=jnp.float32)
    edge_index = jax.random.randint(ks[1], (1, 2, N_EDGES), 0, 2 * NODE_NUM, dtype=jnp.int32)
    edge_attr = jax.random.normal(ks[2], (1, N_EDGES, 1), dtype=jnp.float32)
    names = ['proj_s', 'proj_t', 'intra_s2s', 'intra_t2t', 'intra_s2t', 'intra_t2s', 'inter_s', 'inter_t']
    params = {}
    for i, n in enumerate(names):
        params[n + '_W'] = jax.random.normal(ks[3 + 2 * i], (D, D), dtype=jnp.float32) * (1.0 / np.sqrt(D))
        params[n + '_b'] = jax.random.normal(ks[4 + 2 * i], (D,), dtype=jnp.float32) * 0.01
    return {'x': x, 'edge_index': edge_index, 'edge_attr': edge_attr, 'params': params}


def reference(x, edge_index, edge_attr, params):
    # MAGNN.forward with n_layers=1, conv_type='all'. edge_attr is filtered in the
    # original forward but never consumed by MAGNNConv.propagate, so it does not
    # affect the output.
    B = x.shape[0]
    outs = []
    for bi in range(B):
        edges = _split_edges(edge_index[bi], NODE_NUM)
        outs.append(_magnn_layer(x[bi], edges, params, NODE_NUM))
    return jnp.stack(outs, axis=0)

if __name__ == "__main__":
    import jax
    _d = setup_inputs()
    print(jax.jit(kernel)(*tuple(_d.values())))

</pallas_src>

<mosaic_0001>
#map = affine_map<(d0, d1) -> (0)>
#map1 = affine_map<(d0, d1) -> (0, 0)>
#map2 = affine_map<(d0, d1) -> (0, 0, 0)>
module attributes {stable_mosaic.version = 14 : i64} {
  func.func @_edge_body(%arg0: i32, %arg1: i32, %arg2: memref<332032xi32, #tpu.memory_space<hbm>>, %arg3: memref<332032xi32, #tpu.memory_space<hbm>>, %arg4: memref<332032xi32, #tpu.memory_space<hbm>>, %arg5: memref<20000x128xf32, #tpu.memory_space<hbm>>, %arg6: memref<20000x128xf32, #tpu.memory_space<hbm>>, %arg7: memref<632x128xf32, #tpu.memory_space<hbm>>, %arg8: memref<2x10112x128xf32, #tpu.memory_space<hbm>>, %arg9: memref<96xi32, #tpu.memory_space<vmem>>, %arg10: memref<96xi32, #tpu.memory_space<vmem>>, %arg11: memref<96xi32, #tpu.memory_space<vmem>>, %arg12: memref<96xi32, #tpu.memory_space<vmem>>, %arg13: memref<96xi32, #tpu.memory_space<vmem>>, %arg14: memref<96xi32, #tpu.memory_space<vmem>>, %arg15: memref<96xi32, #tpu.memory_space<vmem>>, %arg16: memref<96xi32, #tpu.memory_space<vmem>>, %arg17: memref<96x128xf32, #tpu.memory_space<vmem>>, %arg18: memref<96x128xf32, #tpu.memory_space<vmem>>, %arg19: memref<96x128xf32, #tpu.memory_space<vmem>>, %arg20: memref<96x128xf32, #tpu.memory_space<vmem>>, %arg21: memref<10112x128xf32, #tpu.memory_space<vmem_shared>>, %arg22: memref<!tpu.dma_semaphore, #tpu.memory_space<semaphore_mem>>, %arg23: memref<!tpu.dma_semaphore, #tpu.memory_space<semaphore_mem>>, %arg24: memref<!tpu.dma_semaphore, #tpu.memory_space<semaphore_mem>>, %arg25: memref<!tpu.dma_semaphore, #tpu.memory_space<semaphore_mem>>, %arg26: memref<!tpu.dma_semaphore, #tpu.memory_space<semaphore_mem>>, %arg27: memref<!tpu.dma_semaphore, #tpu.memory_space<semaphore_mem>>) attributes {dimension_semantics = [#tpu.dimension_semantics<core_parallel>, #tpu.dimension_semantics<subcore_parallel>], iteration_bounds = array<i64: 2, 16>, scalar_prefetch = 0 : i64, scratch_operands = 19 : i64, tpu.core_type = #tpu.core_type<sc_vector_subcore>, window_params = [{transform_indices = #map}, {transform_indices = #map}, {transform_indices = #map}, {transform_indices = #map1}, {transform_indices = #map1}, {transform_indices = #map1}, {transform_indices = #map2}]} {
    %mul3A = arith.constant 16 : i32
    %mul3A_0 = arith.muli %arg0, %mul3A : i32
    %add3A = arith.addi %mul3A_0, %arg1 : i32
    %mul3A_1 = arith.constant 632 : i32
    %mul3A_2 = arith.muli %arg1, %mul3A_1 : i32
    %multiple_of3A = tpu.assume_multiple %mul3A_2, 8 : i32
    "tpu.region"() ({
      %run_scoped3A = tpu.sem_alloc : memref<!tpu.dma_semaphore, #tpu.memory_space<semaphore_mem>>
      %dma_start3A_60 = arith.constant 0 : i32
      %dma_start3A_61 = tpu.memref_slice %arg21[%multiple_of3A, %dma_start3A_60] : memref<10112x128xf32, #tpu.memory_space<vmem_shared>> -> memref<632x128xf32, #tpu.memory_space<vmem_shared>>
      tpu.enqueue_dma source(%arg7 : memref<632x128xf32, #tpu.memory_space<hbm>>) target(%dma_start3A_61 : memref<632x128xf32, #tpu.memory_space<vmem_shared>>) target_semaphore(%run_scoped3A : memref<!tpu.dma_semaphore, #tpu.memory_space<semaphore_mem>>)
      %dma_wait3A_62 = arith.constant 0 : i32
      %dma_wait3A_63 = tpu.memref_slice %arg21[%multiple_of3A, %dma_wait3A_62] : memref<10112x128xf32, #tpu.memory_space<vmem_shared>> -> memref<632x128xf32, #tpu.memory_space<vmem_shared>>
      tpu.wait_dma2 semaphore(%run_scoped3A : memref<!tpu.dma_semaphore, #tpu.memory_space<semaphore_mem>>) src(%arg7 : memref<632x128xf32, #tpu.memory_space<hbm>>) dst(%dma_wait3A_63 : memref<632x128xf32, #tpu.memory_space<vmem_shared>>)
      tpu.yield
    }) : () -> ()
    %barrier3A = arith.constant 0 : index
    tpu.barrier barrier_id(%barrier3A)
    %mul3A_3 = arith.constant 10368 : i32
    %mul3A_4 = arith.muli %add3A, %mul3A_3 : i32
    %multiple_of3A_5 = tpu.assume_multiple %mul3A_4, 8 : i32
    %add3A_6 = arith.constant 0 : i32
    %add3A_7 = arith.addi %multiple_of3A_5, %add3A_6 : i32
    %multiple_of3A_8 = tpu.assume_multiple %add3A_7, 8 : i32
    %dma_start3A = tpu.memref_slice %arg2[%multiple_of3A_8] : memref<332032xi32, #tpu.memory_space<hbm>> -> memref<96xi32, #tpu.memory_space<hbm>>
    %dma_start3A_9 = tpu.memref_slice %arg2[%multiple_of3A_8] : memref<332032xi32, #tpu.memory_space<hbm>> -> memref<96xi32, #tpu.memory_space<hbm>>
    tpu.enqueue_dma source(%dma_start3A_9 : memref<96xi32, #tpu.memory_space<hbm>>) target(%arg9 : memref<96xi32, #tpu.memory_space<vmem>>) target_semaphore(%arg22 : memref<!tpu.dma_semaphore, #tpu.memory_space<semaphore_mem>>)
    %dma_start3A_10 = tpu.memref_slice %arg3[%multiple_of3A_8] : memref<332032xi32, #tpu.memory_space<hbm>> -> memref<96xi32, #tpu.memory_space<hbm>>
    %dma_start3A_11 = tpu.memref_slice %arg3[%multiple_of3A_8] : memref<332032xi32, #tpu.memory_space<hbm>> -> memref<96xi32, #tpu.memory_space<hbm>>
    tpu.enqueue_dma source(%dma_start3A_11 : memref<96xi32, #tpu.memory_space<hbm>>) target(%arg11 : memref<96xi32, #tpu.memory_space<vmem>>) target_semaphore(%arg22 : memref<!tpu.dma_semaphore, #tpu.memory_space<semaphore_mem>>)
    %dma_start3A_12 = tpu.memref_slice %arg4[%multiple_of3A_8] : memref<332032xi32, #tpu.memory_space<hbm>> -> memref<96xi32, #tpu.memory_space<hbm>>
    %dma_start3A_13 = tpu.memref_slice %arg4[%multiple_of3A_8] : memref<332032xi32, #tpu.memory_space<hbm>> -> memref<96xi32, #tpu.memory_space<hbm>>
    tpu.enqueue_dma source(%dma_start3A_13 : memref<96xi32, #tpu.memory_space<hbm>>) target(%arg13 : memref<96xi32, #tpu.memory_space<vmem>>) target_semaphore(%arg22 : memref<!tpu.dma_semaphore, #tpu.memory_space<semaphore_mem>>)
    %add3A_14 = arith.constant 0 : i32
    %add3A_15 = arith.addi %multiple_of3A_5, %add3A_14 : i32
    %multiple_of3A_16 = tpu.assume_multiple %add3A_15, 8 : i32
    %dma_wait3A = tpu.memref_slice %arg2[%multiple_of3A_16] : memref<332032xi32, #tpu.memory_space<hbm>> -> memref<96xi32, #tpu.memory_space<hbm>>
    %dma_wait3A_17 = tpu.memref_slice %arg2[%multiple_of3A_16] : memref<332032xi32, #tpu.memory_space<hbm>> -> memref<96xi32, #tpu.memory_space<hbm>>
    tpu.wait_dma2 semaphore(%arg22 : memref<!tpu.dma_semaphore, #tpu.memory_space<semaphore_mem>>) src(%dma_wait3A_17 : memref<96xi32, #tpu.memory_space<hbm>>) dst(%arg9 : memref<96xi32, #tpu.memory_space<vmem>>)
    %dma_wait3A_18 = tpu.memref_slice %arg3[%multiple_of3A_16] : memref<332032xi32, #tpu.memory_space<hbm>> -> memref<96xi32, #tpu.memory_space<hbm>>
    %dma_wait3A_19 = tpu.memref_slice %arg3[%multiple_of3A_16] : memref<332032xi32, #tpu.memory_space<hbm>> -> memref<96xi32, #tpu.memory_space<hbm>>
    tpu.wait_dma2 semaphore(%arg22 : memref<!tpu.dma_semaphore, #tpu.memory_space<semaphore_mem>>) src(%dma_wait3A_19 : memref<96xi32, #tpu.memory_space<hbm>>) dst(%arg11 : memref<96xi32, #tpu.memory_space<vmem>>)
    %dma_wait3A_20 = tpu.memref_slice %arg4[%multiple_of3A_16] : memref<332032xi32, #tpu.memory_space<hbm>> -> memref<96xi32, #tpu.memory_space<hbm>>
    %dma_wait3A_21 = tpu.memref_slice %arg4[%multiple_of3A_16] : memref<332032xi32, #tpu.memory_space<hbm>> -> memref<96xi32, #tpu.memory_space<hbm>>
    tpu.wait_dma2 semaphore(%arg22 : memref<!tpu.dma_semaphore, #tpu.memory_space<semaphore_mem>>) src(%dma_wait3A_21 : memref<96xi32, #tpu.memory_space<hbm>>) dst(%arg13 : memref<96xi32, #tpu.memory_space<vmem>>)
    %dma_start3A_22 = arith.constant 0 : i32
    %dma_start3A_23 = arith.constant 0 : i32
    %dma_start3A_24 = tpu.memref_slice %arg5[%dma_start3A_22, %dma_start3A_23] : memref<20000x128xf32, #tpu.memory_space<hbm>> -> memref<20000x128xf32, #tpu.memory_space<hbm>>
    tpu.enqueue_indirect_dma source(%dma_start3A_24 : memref<20000x128xf32, #tpu.memory_space<hbm>>) target(%arg17 : memref<96x128xf32, #tpu.memory_space<vmem>>) offsets(%arg9 : memref<96xi32, #tpu.memory_space<vmem>>) semaphore(%arg24 : memref<!tpu.dma_semaphore, #tpu.memory_space<semaphore_mem>>)
    %dma_start3A_25 = arith.constant 0 : i32
    %dma_start3A_26 = arith.constant 0 : i32
    %dma_start3A_27 = tpu.memref_slice %arg6[%dma_start3A_25, %dma_start3A_26] : memref<20000x128xf32, #tpu.memory_space<hbm>> -> memref<20000x128xf32, #tpu.memory_space<hbm>>
    tpu.enqueue_indirect_dma source(%dma_start3A_27 : memref<20000x128xf32, #tpu.memory_space<hbm>>) target(%arg19 : memref<96x128xf32, #tpu.memory_space<vmem>>) offsets(%arg11 : memref<96xi32, #tpu.memory_space<vmem>>) semaphore(%arg24 : memref<!tpu.dma_semaphore, #tpu.memory_space<semaphore_mem>>)
    %add3A_28 = arith.constant 96 : i32
    %add3A_29 = arith.addi %multiple_of3A_5, %add3A_28 : i32
    %multiple_of3A_30 = tpu.assume_multiple %add3A_29, 8 : i32
    %dma_start3A_31 = tpu.memref_slice %arg2[%multiple_of3A_30] : memref<332032xi32, #tpu.memory_space<hbm>> -> memref<96xi32, #tpu.memory_space<hbm>>
    %dma_start3A_32 = tpu.memref_slice %arg2[%multiple_of3A_30] : memref<332032xi32, #tpu.memory_space<hbm>> -> memref<96xi32, #tpu.memory_space<hbm>>
    tpu.enqueue_dma source(%dma_start3A_32 : memref<96xi32, #tpu.memory_space<hbm>>) target(%arg10 : memref<96xi32, #tpu.memory_space<vmem>>) target_semaphore(%arg23 : memref<!tpu.dma_semaphore, #tpu.memory_space<semaphore_mem>>)
    %dma_start3A_33 = tpu.memref_slice %arg3[%multiple_of3A_30] : memref<332032xi32, #tpu.memory_space<hbm>> -> memref<96xi32, #tpu.memory_space<hbm>>
    %dma_start3A_34 = tpu.memref_slice %arg3[%multiple_of3A_30] : memref<332032xi32, #tpu.memory_space<hbm>> -> memref<96xi32, #tpu.memory_space<hbm>>
    tpu.enqueue_dma source(%dma_start3A_34 : memref<96xi32, #tpu.memory_space<hbm>>) target(%arg12 : memref<96xi32, #tpu.memory_space<vmem>>) target_semaphore(%arg23 : memref<!tpu.dma_semaphore, #tpu.memory_space<semaphore_mem>>)
    %dma_start3A_35 = tpu.memref_slice %arg4[%multiple_of3A_30] : memref<332032xi32, #tpu.memory_space<hbm>> -> memref<96xi32, #tpu.memory_space<hbm>>
    %dma_start3A_36 = tpu.memref_slice %arg4[%multiple_of3A_30] : memref<332032xi32, #tpu.memory_space<hbm>> -> memref<96xi32, #tpu.memory_space<hbm>>
    tpu.enqueue_dma source(%dma_start3A_36 : memref<96xi32, #tpu.memory_space<hbm>>) target(%arg14 : memref<96xi32, #tpu.memory_space<vmem>>) target_semaphore(%arg23 : memref<!tpu.dma_semaphore, #tpu.memory_space<semaphore_mem>>)
    %scan3A = arith.constant 0 : i32
    %scan3A_37 = arith.constant 27 : i32
    %scan3A_38 = arith.addi %scan3A, %scan3A_37 : i32
    %scan3A_39 = arith.constant 1 : i32
    scf.for %scan3A_60 = %scan3A to %scan3A_38 step %scan3A_39  : i32 {
      %mul3A_61 = arith.constant 1 : i32
      %mul3A_62 = arith.muli %scan3A_60, %mul3A_61 : i32
      %add3A_63 = arith.constant 0 : i32
      %add3A_64 = arith.addi %add3A_63, %mul3A_62 : i32
      %mul3A_65 = arith.constant 4 : i32
      %mul3A_66 = arith.muli %add3A_64, %mul3A_65 : i32
      %add3A_67 = arith.constant 0 : i32
      %add3A_68 = arith.addi %mul3A_66, %add3A_67 : i32
      %add3A_69 = arith.constant 1 : i32
      %add3A_70 = arith.addi %add3A_68, %add3A_69 : i32
      %mul3A_71 = arith.constant 96 : i32
      %mul3A_72 = arith.muli %add3A_70, %mul3A_71 : i32
      %add3A_73 = arith.addi %multiple_of3A_5, %mul3A_72 : i32
      %multiple_of3A_74 = tpu.assume_multiple %add3A_73, 8 : i32
      %dma_wait3A_75 = tpu.memref_slice %arg2[%multiple_of3A_74] : memref<332032xi32, #tpu.memory_space<hbm>> -> memref<96xi32, #tpu.memory_space<hbm>>
      %dma_wait3A_76 = tpu.memref_slice %arg2[%multiple_of3A_74] : memref<332032xi32, #tpu.memory_space<hbm>> -> memref<96xi32, #tpu.memory_space<hbm>>
      tpu.wait_dma2 semaphore(%arg23 : memref<!tpu.dma_semaphore, #tpu.memory_space<semaphore_mem>>) src(%dma_wait3A_76 : memref<96xi32, #tpu.memory_space<hbm>>) dst(%arg10 : memref<96xi32, #tpu.memory_space<vmem>>)
      %dma_wait3A_77 = tpu.memref_slice %arg3[%multiple_of3A_74] : memref<332032xi32, #tpu.memory_space<hbm>> -> memref<96xi32, #tpu.memory_space<hbm>>
      %dma_wait3A_78 = tpu.memref_slice %arg3[%multiple_of3A_74] : memref<332032xi32, #tpu.memory_space<hbm>> -> memref<96xi32, #tpu.memory_space<hbm>>
      tpu.wait_dma2 semaphore(%arg23 : memref<!tpu.dma_semaphore, #tpu.memory_space<semaphore_mem>>) src(%dma_wait3A_78 : memref<96xi32, #tpu.memory_space<hbm>>) dst(%arg12 : memref<96xi32, #tpu.memory_space<vmem>>)
      %dma_wait3A_79 = tpu.memref_slice %arg4[%multiple_of3A_74] : memref<332032xi32, #tpu.memory_space<hbm>> -> memref<96xi32, #tpu.memory_space<hbm>>
      %dma_wait3A_80 = tpu.memref_slice %arg4[%multiple_of3A_74] : memref<332032xi32, #tpu.memory_space<hbm>> -> memref<96xi32, #tpu.memory_space<hbm>>
      tpu.wait_dma2 semaphore(%arg23 : memref<!tpu.dma_semaphore, #tpu.memory_space<semaphore_mem>>) src(%dma_wait3A_80 : memref<96xi32, #tpu.memory_space<hbm>>) dst(%arg14 : memref<96xi32, #tpu.memory_space<vmem>>)
      %gt3A = arith.constant 0 : i32
      %gt3A_81 = arith.cmpi sgt, %add3A_64, %gt3A : i32
      %convert_element_type3A = arith.extui %gt3A_81 : i1 to i32
      %cond3A = arith.constant 0 : i32
      %cond3A_82 = arith.cmpi ne, %convert_element_type3A, %cond3A : i32
      scf.if %cond3A_82 {
        %dma_wait3A_268 = arith.constant 0 : i32
        %dma_wait3A_269 = arith.constant 0 : i32
        %dma_wait3A_270 = tpu.memref_slice %arg21[%dma_wait3A_268, %dma_wait3A_269] : memref<10112x128xf32, #tpu.memory_space<vmem_shared>> -> memref<10112x128xf32, #tpu.memory_space<vmem_shared>>
        tpu.wait_indirect_dma semaphore(%arg27 : memref<!tpu.dma_semaphore, #tpu.memory_space<semaphore_mem>>) src(%arg18 : memref<96x128xf32, #tpu.memory_space<vmem>>) dst(%dma_wait3A_270 : memref<10112x128xf32, #tpu.memory_space<vmem_shared>>)
      } else {
      }
      %dma_start3A_83 = arith.constant 0 : i32
      %dma_start3A_84 = arith.constant 0 : i32
      %dma_start3A_85 = tpu.memref_slice %arg5[%dma_start3A_83, %dma_start3A_84] : memref<20000x128xf32, #tpu.memory_space<hbm>> -> memref<20000x128xf32, #tpu.memory_space<hbm>>
      tpu.enqueue_indirect_dma source(%dma_start3A_85 : memref<20000x128xf32, #tpu.memory_space<hbm>>) target(%arg18 : memref<96x128xf32, #tpu.memory_space<vmem>>) offsets(%arg10 : memref<96xi32, #tpu.memory_space<vmem>>) semaphore(%arg25 : memref<!tpu.dma_semaphore, #tpu.memory_space<semaphore_mem>>)
      %dma_start3A_86 = arith.constant 0 : i32
      %dma_start3A_87 = arith.constant 0 : i32
      %dma_start3A_88 = tpu.memref_slice %arg6[%dma_start3A_86, %dma_start3A_87] : memref<20000x128xf32, #tpu.memory_space<hbm>> -> memref<20000x128xf32, #tpu.memory_space<hbm>>
      tpu.enqueue_indirect_dma source(%dma_start3A_88 : memref<20000x128xf32, #tpu.memory_space<hbm>>) target(%arg20 : memref<96x128xf32, #tpu.memory_space<vmem>>) offsets(%arg12 : memref<96xi32, #tpu.memory_space<vmem>>) semaphore(%arg25 : memref<!tpu.dma_semaphore, #tpu.memory_space<semaphore_mem>>)
      %dma_wait3A_89 = arith.constant 0 : i32
      %dma_wait3A_90 = arith.constant 0 : i32
      %dma_wait3A_91 = tpu.memref_slice %arg5[%dma_wait3A_89, %dma_wait3A_90] : memref<20000x128xf32, #tpu.memory_space<hbm>> -> memref<20000x128xf32, #tpu.memory_space<hbm>>
      tpu.wait_indirect_dma semaphore(%arg24 : memref<!tpu.dma_semaphore, #tpu.memory_space<semaphore_mem>>) src(%dma_wait3A_91 : memref<20000x128xf32, #tpu.memory_space<hbm>>) dst(%arg17 : memref<96x128xf32, #tpu.memory_space<vmem>>)
      %dma_wait3A_92 = arith.constant 0 : i32
      %dma_wait3A_93 = arith.constant 0 : i32
      %dma_wait3A_94 = tpu.memref_slice %arg6[%dma_wait3A_92, %dma_wait3A_93] : memref<20000x128xf32, #tpu.memory_space<hbm>> -> memref<20000x128xf32, #tpu.memory_space<hbm>>
      tpu.wait_indirect_dma semaphore(%arg24 : memref<!tpu.dma_semaphore, #tpu.memory_space<semaphore_mem>>) src(%dma_wait3A_94 : memref<20000x128xf32, #tpu.memory_space<hbm>>) dst(%arg19 : memref<96x128xf32, #tpu.memory_space<vmem>>)
      %scan3A_95 = arith.constant 0 : i32
      %scan3A_96 = arith.constant 96 : i32
      %scan3A_97 = arith.addi %scan3A_95, %scan3A_96 : i32
      %scan3A_98 = arith.constant 1 : i32
      scf.for %scan3A_268 = %scan3A_95 to %scan3A_97 step %scan3A_98  : i32 {
        %mul3A_269 = arith.constant 1 : i32
        %mul3A_270 = arith.muli %scan3A_268, %mul3A_269 : i32
        %add3A_271 = arith.constant 0 : i32
        %add3A_272 = arith.addi %add3A_271, %mul3A_270 : i32
        %get3A = arith.index_cast %add3A_272 : i32 to index
        %get3A_273 = arith.constant 0 : index
        %get3A_274 = tpu.vector_load %arg17[%get3A, %get3A_273] {strides = array<i32>} : memref<96x128xf32, #tpu.memory_space<vmem>>, vector<1x16xf32>,
        %get3A_275 = vector.shape_cast %get3A_274 : vector<1x16xf32> to vector<16xf32>
        %get3A_276 = arith.index_cast %add3A_272 : i32 to index
        %get3A_277 = arith.constant 0 : index
        %get3A_278 = tpu.vector_load %arg19[%get3A_276, %get3A_277] {strides = array<i32>} : memref<96x128xf32, #tpu.memory_space<vmem>>, vector<1x16xf32>,
        %get3A_279 = vector.shape_cast %get3A_278 : vector<1x16xf32> to vector<16xf32>
        %add3A_280 = arith.addf %get3A_275, %get3A_279 : vector<16xf32>
        %exp3A = math.exp %add3A_280 : vector<16xf32>
        %add3A_281 = arith.constant 1.000000e+00 : f32
        %add3A_282 = vector.broadcast %add3A_281 : f32 to vector<16xf32>
        %add3A_283 = arith.addf %exp3A, %add3A_282 : vector<16xf32>
        %div3A = arith.constant 2.000000e+00 : f32
        %div3A_284 = vector.broadcast %div3A : f32 to vector<16xf32>
        %div3A_285 = arith.divf %div3A_284, %add3A_283 : vector<16xf32>
        %sub3A = arith.constant 1.000000e+00 : f32
        %sub3A_286 = vector.broadcast %sub3A : f32 to vector<16xf32>
        %sub3A_287 = arith.subf %sub3A_286, %div3A_285 : vector<16xf32>
        %swap3A = arith.index_cast %add3A_272 : i32 to index
        %swap3A_288 = arith.constant 0 : index
        %swap3A_289 = tpu.vector_load %arg17[%swap3A, %swap3A_288] {strides = array<i32>} : memref<96x128xf32, #tpu.memory_space<vmem>>, vector<1x16xf32>,
        %swap3A_290 = vector.shape_cast %swap3A_289 : vector<1x16xf32> to vector<16xf32>
        %swap3A_291 = vector.shape_cast %sub3A_287 : vector<16xf32> to vector<1x16xf32>
        tpu.vector_store %arg17[%swap3A, %swap3A_288], %swap3A_291 {strides = array<i32>} : memref<96x128xf32, #tpu.memory_space<vmem>>, vector<1x16xf32>,
        %get3A_292 = arith.index_cast %add3A_272 : i32 to index
        %get3A_293 = arith.constant 16 : index
        %get3A_294 = tpu.vector_load %arg17[%get3A_292, %get3A_293] {strides = array<i32>} : memref<96x128xf32, #tpu.memory_space<vmem>>, vector<1x16xf32>,
        %get3A_295 = vector.shape_cast %get3A_294 : vector<1x16xf32> to vector<16xf32>
        %get3A_296 = arith.index_cast %add3A_272 : i32 to index
        %get3A_297 = arith.constant 16 : index
        %get3A_298 = tpu.vector_load %arg19[%get3A_296, %get3A_297] {strides = array<i32>} : memref<96x128xf32, #tpu.memory_space<vmem>>, vector<1x16xf32>,
        %get3A_299 = vector.shape_cast %get3A_298 : vector<1x16xf32> to vector<16xf32>
        %add3A_300 = arith.addf %get3A_295, %get3A_299 : vector<16xf32>
        %exp3A_301 = math.exp %add3A_300 : vector<16xf32>
        %add3A_302 = arith.constant 1.000000e+00 : f32
        %add3A_303 = vector.broadcast %add3A_302 : f32 to vector<16xf32>
        %add3A_304 = arith.addf %exp3A_301, %add3A_303 : vector<16xf32>
        %div3A_305 = arith.constant 2.000000e+00 : f32
        %div3A_306 = vector.broadcast %div3A_305 : f32 to vector<16xf32>
        %div3A_307 = arith.divf %div3A_306, %add3A_304 : vector<16xf32>
        %sub3A_308 = arith.constant 1.000000e+00 : f32
        %sub3A_309 = vector.broadcast %sub3A_308 : f32 to vector<16xf32>
        %sub3A_310 = arith.subf %sub3A_309, %div3A_307 : vector<16xf32>
        %swap3A_311 = arith.index_cast %add3A_272 : i32 to index
        %swap3A_312 = arith.constant 16 : index
        %swap3A_313 = tpu.vector_load %arg17[%swap3A_311, %swap3A_312] {strides = array<i32>} : memref<96x128xf32, #tpu.memory_space<vmem>>, vector<1x16xf32>,
        %swap3A_314 = vector.shape_cast %swap3A_313 : vector<1x16xf32> to vector<16xf32>
        %swap3A_315 = vector.shape_cast %sub3A_310 : vector<16xf32> to vector<1x16xf32>
        tpu.vector_store %arg17[%swap3A_311, %swap3A_312], %swap3A_315 {strides = array<i32>} : memref<96x128xf32, #tpu.memory_space<vmem>>, vector<1x16xf32>,
        %get3A_316 = arith.index_cast %add3A_272 : i32 to index
        %get3A_317 = arith.constant 32 : index
        %get3A_318 = tpu.vector_load %arg17[%get3A_316, %get3A_317] {strides = array<i32>} : memref<96x128xf32, #tpu.memory_space<vmem>>, vector<1x16xf32>,
        %get3A_319 = vector.shape_cast %get3A_318 : vector<1x16xf32> to vector<16xf32>
        %get3A_320 = arith.index_cast %add3A_272 : i32 to index
        %get3A_321 = arith.constant 32 : index
        %get3A_322 = tpu.vector_load %arg19[%get3A_320, %get3A_321] {strides = array<i32>} : memref<96x128xf32, #tpu.memory_space<vmem>>, vector<1x16xf32>,
        %get3A_323 = vector.shape_cast %get3A_322 : vector<1x16xf32> to vector<16xf32>
        %add3A_324 = arith.addf %get3A_319, %get3A_323 : vector<16xf32>
        %exp3A_325 = math.exp %add3A_324 : vector<16xf32>
        %add3A_326 = arith.constant 1.000000e+00 : f32
        %add3A_327 = vector.broadcast %add3A_326 : f32 to vector<16xf32>
        %add3A_328 = arith.addf %exp3A_325, %add3A_327 : vector<16xf32>
        %div3A_329 = arith.constant 2.000000e+00 : f32
        %div3A_330 = vector.broadcast %div3A_329 : f32 to vector<16xf32>
        %div3A_331 = arith.divf %div3A_330, %add3A_328 : vector<16xf32>
        %sub3A_332 = arith.constant 1.000000e+00 : f32
        %sub3A_333 = vector.broadcast %sub3A_332 : f32 to vector<16xf32>
        %sub3A_334 = arith.subf %sub3A_333, %div3A_331 : vector<16xf32>
        %swap3A_335 = arith.index_cast %add3A_272 : i32 to index
        %swap3A_336 = arith.constant 32 : index
        %swap3A_337 = tpu.vector_load %arg17[%swap3A_335, %swap3A_336] {strides = array<i32>} : memref<96x128xf32, #tpu.memory_space<vmem>>, vector<1x16xf32>,
        %swap3A_338 = vector.shape_cast %swap3A_337 : vector<1x16xf32> to vector<16xf32>
        %swap3A_339 = vector.shape_cast %sub3A_334 : vector<16xf32> to vector<1x16xf32>
        tpu.vector_store %arg17[%swap3A_335, %swap3A_336], %swap3A_339 {strides = array<i32>} : memref<96x128xf32, #tpu.memory_space<vmem>>, vector<1x16xf32>,
        %get3A_340 = arith.index_cast %add3A_272 : i32 to index
        %get3A_341 = arith.constant 48 : index
        %get3A_342 = tpu.vector_load %arg17[%get3A_340, %get3A_341] {strides = array<i32>} : memref<96x128xf32, #tpu.memory_space<vmem>>, vector<1x16xf32>,
        %get3A_343 = vector.shape_cast %get3A_342 : vector<1x16xf32> to vector<16xf32>
        %get3A_344 = arith.index_cast %add3A_272 : i32 to index
        %get3A_345 = arith.constant 48 : index
        %get3A_346 = tpu.vector_load %arg19[%get3A_344, %get3A_345] {strides = array<i32>} : memref<96x128xf32, #tpu.memory_space<vmem>>, vector<1x16xf32>,
        %get3A_347 = vector.shape_cast %get3A_346 : vector<1x16xf32> to vector<16xf32>
        %add3A_348 = arith.addf %get3A_343, %get3A_347 : vector<16xf32>
        %exp3A_349 = math.exp %add3A_348 : vector<16xf32>
        %add3A_350 = arith.constant 1.000000e+00 : f32
        %add3A_351 = vector.broadcast %add3A_350 : f32 to vector<16xf32>
        %add3A_352 = arith.addf %exp3A_349, %add3A_351 : vector<16xf32>
        %div3A_353 = arith.constant 2.000000e+00 : f32
        %div3A_354 = vector.broadcast %div3A_353 : f32 to vector<16xf32>
        %div3A_355 = arith.divf %div3A_354, %add3A_352 : vector<16xf32>
        %sub3A_356 = arith.constant 1.000000e+00 : f32
        %sub3A_357 = vector.broadcast %sub3A_356 : f32 to vector<16xf32>
        %sub3A_358 = arith.subf %sub3A_357, %div3A_355 : vector<16xf32>
        %swap3A_359 = arith.index_cast %add3A_272 : i32 to index
        %swap3A_360 = arith.constant 48 : index
        %swap3A_361 = tpu.vector_load %arg17[%swap3A_359, %swap3A_360] {strides = array<i32>} : memref<96x128xf32, #tpu.memory_space<vmem>>, vector<1x16xf32>,
        %swap3A_362 = vector.shape_cast %swap3A_361 : vector<1x16xf32> to vector<16xf32>
        %swap3A_363 = vector.shape_cast %sub3A_358 : vector<16xf32> to vector<1x16xf32>
        tpu.vector_store %arg17[%swap3A_359, %swap3A_360], %swap3A_363 {strides = array<i32>} : memref<96x128xf32, #tpu.memory_space<vmem>>, vector<1x16xf32>,
        %get3A_364 = arith.index_cast %add3A_272 : i32 to index
        %get3A_365 = arith.constant 64 : index
        %get3A_366 = tpu.vector_load %arg17[%get3A_364, %get3A_365] {strides = array<i32>} : memref<96x128xf32, #tpu.memory_space<vmem>>, vector<1x16xf32>,
        %get3A_367 = vector.shape_cast %get3A_366 : vector<1x16xf32> to vector<16xf32>
        %get3A_368 = arith.index_cast %add3A_272 : i32 to index
        %get3A_369 = arith.constant 64 : index
        %get3A_370 = tpu.vector_load %arg19[%get3A_368, %get3A_369] {strides = array<i32>} : memref<96x128xf32, #tpu.memory_space<vmem>>, vector<1x16xf32>,
        %get3A_371 = vector.shape_cast %get3A_370 : vector<1x16xf32> to vector<16xf32>
        %add3A_372 = arith.addf %get3A_367, %get3A_371 : vector<16xf32>
        %exp3A_373 = math.exp %add3A_372 : vector<16xf32>
        %add3A_374 = arith.constant 1.000000e+00 : f32
        %add3A_375 = vector.broadcast %add3A_374 : f32 to vector<16xf32>
        %add3A_376 = arith.addf %exp3A_373, %add3A_375 : vector<16xf32>
        %div3A_377 = arith.constant 2.000000e+00 : f32
        %div3A_378 = vector.broadcast %div3A_377 : f32 to vector<16xf32>
        %div3A_379 = arith.divf %div3A_378, %add3A_376 : vector<16xf32>
        %sub3A_380 = arith.constant 1.000000e+00 : f32
        %sub3A_381 = vector.broadcast %sub3A_380 : f32 to vector<16xf32>
        %sub3A_382 = arith.subf %sub3A_381, %div3A_379 : vector<16xf32>
        %swap3A_383 = arith.index_cast %add3A_272 : i32 to index
        %swap3A_384 = arith.constant 64 : index
        %swap3A_385 = tpu.vector_load %arg17[%swap3A_383, %swap3A_384] {strides = array<i32>} : memref<96x128xf32, #tpu.memory_space<vmem>>, vector<1x16xf32>,
        %swap3A_386 = vector.shape_cast %swap3A_385 : vector<1x16xf32> to vector<16xf32>
        %swap3A_387 = vector.shape_cast %sub3A_382 : vector<16xf32> to vector<1x16xf32>
        tpu.vector_store %arg17[%swap3A_383, %swap3A_384], %swap3A_387 {strides = array<i32>} : memref<96x128xf32, #tpu.memory_space<vmem>>, vector<1x16xf32>,
        %get3A_388 = arith.index_cast %add3A_272 : i32 to index
        %get3A_389 = arith.constant 80 : index
        %get3A_390 = tpu.vector_load %arg17[%get3A_388, %get3A_389] {strides = array<i32>} : memref<96x128xf32, #tpu.memory_space<vmem>>, vector<1x16xf32>,
        %get3A_391 = vector.shape_cast %get3A_390 : vector<1x16xf32> to vector<16xf32>
        %get3A_392 = arith.index_cast %add3A_272 : i32 to index
        %get3A_393 = arith.constant 80 : index
        %get3A_394 = tpu.vector_load %arg19[%get3A_392, %get3A_393] {strides = array<i32>} : memref<96x128xf32, #tpu.memory_space<vmem>>, vector<1x16xf32>,
        %get3A_395 = vector.shape_cast %get3A_394 : vector<1x16xf32> to vector<16xf32>
        %add3A_396 = arith.addf %get3A_391, %get3A_395 : vector<16xf32>
        %exp3A_397 = math.exp %add3A_396 : vector<16xf32>
        %add3A_398 = arith.constant 1.000000e+00 : f32
        %add3A_399 = vector.broadcast %add3A_398 : f32 to vector<16xf32>
        %add3A_400 = arith.addf %exp3A_397, %add3A_399 : vector<16xf32>
        %div3A_401 = arith.constant 2.000000e+00 : f32
        %div3A_402 = vector.broadcast %div3A_401 : f32 to vector<16xf32>
        %div3A_403 = arith.divf %div3A_402, %add3A_400 : vector<16xf32>
        %sub3A_404 = arith.constant 1.000000e+00 : f32
        %sub3A_405 = vector.broadcast %sub3A_404 : f32 to vector<16xf32>
        %sub3A_406 = arith.subf %sub3A_405, %div3A_403 : vector<16xf32>
        %swap3A_407 = arith.index_cast %add3A_272 : i32 to index
        %swap3A_408 = arith.constant 80 : index
        %swap3A_409 = tpu.vector_load %arg17[%swap3A_407, %swap3A_408] {strides = array<i32>} : memref<96x128xf32, #tpu.memory_space<vmem>>, vector<1x16xf32>,
        %swap3A_410 = vector.shape_cast %swap3A_409 : vector<1x16xf32> to vector<16xf32>
        %swap3A_411 = vector.shape_cast %sub3A_406 : vector<16xf32> to vector<1x16xf32>
        tpu.vector_store %arg17[%swap3A_407, %swap3A_408], %swap3A_411 {strides = array<i32>} : memref<96x128xf32, #tpu.memory_space<vmem>>, vector<1x16xf32>,
        %get3A_412 = arith.index_cast %add3A_272 : i32 to index
        %get3A_413 = arith.constant 96 : index
        %get3A_414 = tpu.vector_load %arg17[%get3A_412, %get3A_413] {strides = array<i32>} : memref<96x128xf32, #tpu.memory_space<vmem>>, vector<1x16xf32>,
        %get3A_415 = vector.shape_cast %get3A_414 : vector<1x16xf32> to vector<16xf32>
        %get3A_416 = arith.index_cast %add3A_272 : i32 to index
        %get3A_417 = arith.constant 96 : index
        %get3A_418 = tpu.vector_load %arg19[%get3A_416, %get3A_417] {strides = array<i32>} : memref<96x128xf32, #tpu.memory_space<vmem>>, vector<1x16xf32>,
        %get3A_419 = vector.shape_cast %get3A_418 : vector<1x16xf32> to vector<16xf32>
        %add3A_420 = arith.addf %get3A_415, %get3A_419 : vector<16xf32>
        %exp3A_421 = math.exp %add3A_420 : vector<16xf32>
        %add3A_422 = arith.constant 1.000000e+00 : f32
        %add3A_423 = vector.broadcast %add3A_422 : f32 to vector<16xf32>
        %add3A_424 = arith.addf %exp3A_421, %add3A_423 : vector<16xf32>
        %div3A_425 = arith.constant 2.000000e+00 : f32
        %div3A_426 = vector.broadcast %div3A_425 : f32 to vector<16xf32>
        %div3A_427 = arith.divf %div3A_426, %add3A_424 : vector<16xf32>
        %sub3A_428 = arith.constant 1.000000e+00 : f32
        %sub3A_429 = vector.broadcast %sub3A_428 : f32 to vector<16xf32>
        %sub3A_430 = arith.subf %sub3A_429, %div3A_427 : vector<16xf32>
        %swap3A_431 = arith.index_cast %add3A_272 : i32 to index
        %swap3A_432 = arith.constant 96 : index
        %swap3A_433 = tpu.vector_load %arg17[%swap3A_431, %swap3A_432] {strides = array<i32>} : memref<96x128xf32, #tpu.memory_space<vmem>>, vector<1x16xf32>,
        %swap3A_434 = vector.shape_cast %swap3A_433 : vector<1x16xf32> to vector<16xf32>
        %swap3A_435 = vector.shape_cast %sub3A_430 : vector<16xf32> to vector<1x16xf32>
        tpu.vector_store %arg17[%swap3A_431, %swap3A_432], %swap3A_435 {strides = array<i32>} : memref<96x128xf32, #tpu.memory_space<vmem>>, vector<1x16xf32>,
        %get3A_436 = arith.index_cast %add3A_272 : i32 to index
        %get3A_437 = arith.constant 112 : index
        %get3A_438 = tpu.vector_load %arg17[%get3A_436, %get3A_437] {strides = array<i32>} : memref<96x128xf32, #tpu.memory_space<vmem>>, vector<1x16xf32>,
        %get3A_439 = vector.shape_cast %get3A_438 : vector<1x16xf32> to vector<16xf32>
        %get3A_440 = arith.index_cast %add3A_272 : i32 to index
        %get3A_441 = arith.constant 112 : index
        %get3A_442 = tpu.vector_load %arg19[%get3A_440, %get3A_441] {strides = array<i32>} : memref<96x128xf32, #tpu.memory_space<vmem>>, vector<1x16xf32>,
        %get3A_443 = vector.shape_cast %get3A_442 : vector<1x16xf32> to vector<16xf32>
        %add3A_444 = arith.addf %get3A_439, %get3A_443 : vector<16xf32>
        %exp3A_445 = math.exp %add3A_444 : vector<16xf32>
        %add3A_446 = arith.constant 1.000000e+00 : f32
        %add3A_447 = vector.broadcast %add3A_446 : f32 to vector<16xf32>
        %add3A_448 = arith.addf %exp3A_445, %add3A_447 : vector<16xf32>
        %div3A_449 = arith.constant 2.000000e+00 : f32
        %div3A_450 = vector.broadcast %div3A_449 : f32 to vector<16xf32>
        %div3A_451 = arith.divf %div3A_450, %add3A_448 : vector<16xf32>
        %sub3A_452 = arith.constant 1.000000e+00 : f32
        %sub3A_453 = vector.broadcast %sub3A_452 : f32 to vector<16xf32>
        %sub3A_454 = arith.subf %sub3A_453, %div3A_451 : vector<16xf32>
        %swap3A_455 = arith.index_cast %add3A_272 : i32 to index
        %swap3A_456 = arith.constant 112 : index
        %swap3A_457 = tpu.vector_load %arg17[%swap3A_455, %swap3A_456] {strides = array<i32>} : memref<96x128xf32, #tpu.memory_space<vmem>>, vector<1x16xf32>,
        %swap3A_458 = vector.shape_cast %swap3A_457 : vector<1x16xf32> to vector<16xf32>
        %swap3A_459 = vector.shape_cast %sub3A_454 : vector<16xf32> to vector<1x16xf32>
        tpu.vector_store %arg17[%swap3A_455, %swap3A_456], %swap3A_459 {strides = array<i32>} : memref<96x128xf32, #tpu.memory_space<vmem>>, vector<1x16xf32>,
      }
      %scan3A_99 = arith.constant 96 : i32
      %dma_start3A_100 = arith.constant 0 : i32
      %dma_start3A_101 = arith.constant 0 : i32
      %dma_start3A_102 = tpu.memref_slice %arg21[%dma_start3A_100, %dma_start3A_101] : memref<10112x128xf32, #tpu.memory_space<vmem_shared>> -> memref<10112x128xf32, #tpu.memory_space<vmem_shared>>
      tpu.enqueue_indirect_dma source(%arg17 : memref<96x128xf32, #tpu.memory_space<vmem>>) target(%dma_start3A_102 : memref<10112x128xf32, #tpu.memory_space<vmem_shared>>) offsets(%arg13 : memref<96xi32, #tpu.memory_space<vmem>>) semaphore(%arg26 : memref<!tpu.dma_semaphore, #tpu.memory_space<semaphore_mem>>) {add = true}
      %add3A_103 = arith.constant 2 : i32
      %add3A_104 = arith.addi %add3A_68, %add3A_103 : i32
      %mul3A_105 = arith.constant 96 : i32
      %mul3A_106 = arith.muli %add3A_104, %mul3A_105 : i32
      %add3A_107 = arith.addi %multiple_of3A_5, %mul3A_106 : i32
      %multiple_of3A_108 = tpu.assume_multiple %add3A_107, 8 : i32
      %dma_start3A_109 = tpu.memref_slice %arg2[%multiple_of3A_108] : memref<332032xi32, #tpu.memory_space<hbm>> -> memref<96xi32, #tpu.memory_space<hbm>>
      %dma_start3A_110 = tpu.memref_slice %arg2[%multiple_of3A_108] : memref<332032xi32, #tpu.memory_space<hbm>> -> memref<96xi32, #tpu.memory_space<hbm>>
      tpu.enqueue_dma source(%dma_start3A_110 : memref<96xi32, #tpu.memory_space<hbm>>) target(%arg9 : memref<96xi32, #tpu.memory_space<vmem>>) target_semaphore(%arg22 : memref<!tpu.dma_semaphore, #tpu.memory_space<semaphore_mem>>)
      %dma_start3A_111 = tpu.memref_slice %arg3[%multiple_of3A_108] : memref<332032xi32, #tpu.memory_space<hbm>> -> memref<96xi32, #tpu.memory_space<hbm>>
      %dma_start3A_112 = tpu.memref_slice %arg3[%multiple_of3A_108] : memref<332032xi32, #tpu.memory_space<hbm>> -> memref<96xi32, #tpu.memory_space<hbm>>
      tpu.enqueue_dma source(%dma_start3A_112 : memref<96xi32, #tpu.memory_space<hbm>>) target(%arg11 : memref<96xi32, #tpu.memory_space<vmem>>) target_semaphore(%arg22 : memref<!tpu.dma_semaphore, #tpu.memory_space<semaphore_mem>>)
      %dma_start3A_113 = tpu.memref_slice %arg4[%multiple_of3A_108] : memref<332032xi32, #tpu.memory_space<hbm>> -> memref<96xi32, #tpu.memory_space<hbm>>
      %dma_start3A_114 = tpu.memref_slice %arg4[%multiple_of3A_108] : memref<332032xi32, #tpu.memory_space<hbm>> -> memref<96xi32, #tpu.memory_space<hbm>>
      tpu.enqueue_dma source(%dma_start3A_114 : memref<96xi32, #tpu.memory_space<hbm>>) target(%arg15 : memref<96xi32, #tpu.memory_space<vmem>>) target_semaphore(%arg22 : memref<!tpu.dma_semaphore, #tpu.memory_space<semaphore_mem>>)
      %mul3A_115 = arith.constant 4 : i32
      %mul3A_116 = arith.muli %add3A_64, %mul3A_115 : i32
      %add3A_117 = arith.constant 1 : i32
      %add3A_118 = arith.addi %mul3A_116, %add3A_117 : i32
      %add3A_119 = arith.constant 1 : i32
      %add3A_120 = arith.addi %add3A_118, %add3A_119 : i32
      %mul3A_121 = arith.constant 96 : i32
      %mul3A_122 = arith.muli %add3A_120, %mul3A_121 : i32
      %add3A_123 = arith.addi %multiple_of3A_5, %mul3A_122 : i32
      %multiple_of3A_124 = tpu.assume_multiple %add3A_123, 8 : i32
      %dma_wait3A_125 = tpu.memref_slice %arg2[%multiple_of3A_124] : memref<332032xi32, #tpu.memory_space<hbm>> -> memref<96xi32, #tpu.memory_space<hbm>>
      %dma_wait3A_126 = tpu.memref_slice %arg2[%multiple_of3A_124] : memref<332032xi32, #tpu.memory_space<hbm>> -> memref<96xi32, #tpu.memory_space<hbm>>
      tpu.wait_dma2 semaphore(%arg22 : memref<!tpu.dma_semaphore, #tpu.memory_space<semaphore_mem>>) src(%dma_wait3A_126 : memref<96xi32, #tpu.memory_space<hbm>>) dst(%arg9 : memref<96xi32, #tpu.memory_space<vmem>>)
      %dma_wait3A_127 = tpu.memref_slice %arg3[%multiple_of3A_124] : memref<332032xi32, #tpu.memory_space<hbm>> -> memref<96xi32, #tpu.memory_space<hbm>>
      %dma_wait3A_128 = tpu.memref_slice %arg3[%multiple_of3A_124] : memref<332032xi32, #tpu.memory_space<hbm>> -> memref<96xi32, #tpu.memory_space<hbm>>
      tpu.wait_dma2 semaphore(%arg22 : memref<!tpu.dma_semaphore, #tpu.memory_space<semaphore_mem>>) src(%dma_wait3A_128 : memref<96xi32, #tpu.memory_space<hbm>>) dst(%arg11 : memref<96xi32, #tpu.memory_space<vmem>>)
      %dma_wait3A_129 = tpu.memref_slice %arg4[%multiple_of3A_124] : memref<332032xi32, #tpu.memory_space<hbm>> -> memref<96xi32, #tpu.memory_space<hbm>>
      %dma_wait3A_130 = tpu.memref_slice %arg4[%multiple_of3A_124] : memref<332032xi32, #tpu.memory_space<hbm>> -> memref<96xi32, #tpu.memory_space<hbm>>
      tpu.wait_dma2 semaphore(%arg22 : memref<!tpu.dma_semaphore, #tpu.memory_space<semaphore_mem>>) src(%dma_wait3A_130 : memref<96xi32, #tpu.memory_space<hbm>>) dst(%arg15 : memref<96xi32, #tpu.memory_space<vmem>>)
      %dma_wait3A_131 = arith.constant 0 : i32
      %dma_wait3A_132 = arith.constant 0 : i32
      %dma_wait3A_133 = tpu.memref_slice %arg21[%dma_wait3A_131, %dma_wait3A_132] : memref<10112x128xf32, #tpu.memory_space<vmem_shared>> -> memref<10112x128xf32, #tpu.memory_space<vmem_shared>>
      tpu.wait_indirect_dma semaphore(%arg26 : memref<!tpu.dma_semaphore, #tpu.memory_space<semaphore_mem>>) src(%arg17 : memref<96x128xf32, #tpu.memory_space<vmem>>) dst(%dma_wait3A_133 : memref<10112x128xf32, #tpu.memory_space<vmem_shared>>)
      %dma_start3A_134 = arith.constant 0 : i32
      %dma_start3A_135 = arith.constant 0 : i32
      %dma_start3A_136 = tpu.memref_slice %arg5[%dma_start3A_134, %dma_start3A_135] : memref<20000x128xf32, #tpu.memory_space<hbm>> -> memref<20000x128xf32, #tpu.memory_space<hbm>>
      tpu.enqueue_indirect_dma source(%dma_start3A_136 : memref<20000x128xf32, #tpu.memory_space<hbm>>) target(%arg17 : memref<96x128xf32, #tpu.memory_space<vmem>>) offsets(%arg9 : memref<96xi32, #tpu.memory_space<vmem>>) semaphore(%arg24 : memref<!tpu.dma_semaphore, #tpu.memory_space<semaphore_mem>>)
      %dma_start3A_137 = arith.constant 0 : i32
      %dma_start3A_138 = arith.constant 0 : i32
      %dma_start3A_139 = tpu.memref_slice %arg6[%dma_start3A_137, %dma_start3A_138] : memref<20000x128xf32, #tpu.memory_space<hbm>> -> memref<20000x128xf32, #tpu.memory_space<hbm>>
      tpu.enqueue_indirect_dma source(%dma_start3A_139 : memref<20000x128xf32, #tpu.memory_space<hbm>>) target(%arg19 : memref<96x128xf32, #tpu.memory_space<vmem>>) offsets(%arg11 : memref<96xi32, #tpu.memory_space<vmem>>) semaphore(%arg24 : memref<!tpu.dma_semaphore, #tpu.memory_space<semaphore_mem>>)
      %dma_wait3A_140 = arith.constant 0 : i32
      %dma_wait3A_141 = arith.constant 0 : i32
      %dma_wait3A_142 = tpu.memref_slice %arg5[%dma_wait3A_140, %dma_wait3A_141] : memref<20000x128xf32, #tpu.memory_space<hbm>> -> memref<20000x128xf32, #tpu.memory_space<hbm>>
      tpu.wait_indirect_dma semaphore(%arg25 : memref<!tpu.dma_semaphore, #tpu.memory_space<semaphore_mem>>) src(%dma_wait3A_142 : memref<20000x128xf32, #tpu.memory_space<hbm>>) dst(%arg18 : memref<96x128xf32, #tpu.memory_space<vmem>>)
      %dma_wait3A_143 = arith.constant 0 : i32
      %dma_wait3A_144 = arith.constant 0 : i32
      %dma_wait3A_145 = tpu.memref_slice %arg6[%dma_wait3A_143, %dma_wait3A_144] : memref<20000x128xf32, #tpu.memory_space<hbm>> -> memref<20000x128xf32, #tpu.memory_space<hbm>>
      tpu.wait_indirect_dma semaphore(%arg25 : memref<!tpu.dma_semaphore, #tpu.memory_space<semaphore_mem>>) src(%dma_wait3A_145 : memref<20000x128xf32, #tpu.memory_space<hbm>>) dst(%arg20 : memref<96x128xf32, #tpu.memory_space<vmem>>)
      %scan3A_146 = arith.constant 0 : i32
      %scan3A_147 = arith.constant 96 : i32
      %scan3A_148 = arith.addi %scan3A_146, %scan3A_147 : i32
      %scan3A_149 = arith.constant 1 : i32
      scf.for %scan3A_268 = %scan3A_146 to %scan3A_148 step %scan3A_149  : i32 {
        %mul3A_269 = arith.constant 1 : i32
        %mul3A_270 = arith.muli %scan3A_268, %mul3A_269 : i32
        %add3A_271 = arith.constant 0 : i32
        %add3A_272 = arith.addi %add3A_271, %mul3A_270 : i32
        %get3A = arith.index_cast %add3A_272 : i32 to index
        %get3A_273 = arith.constant 0 : index
        %get3A_274 = tpu.vector_load %arg18[%get3A, %get3A_273] {strides = array<i32>} : memref<96x128xf32, #tpu.memory_space<vmem>>, vector<1x16xf32>,
        %get3A_275 = vector.shape_cast %get3A_274 : vector<1x16xf32> to vector<16xf32>
        %get3A_276 = arith.index_cast %add3A_272 : i32 to index
        %get3A_277 = arith.constant 0 : index
        %get3A_278 = tpu.vector_load %arg20[%get3A_276, %get3A_277] {strides = array<i32>} : memref<96x128xf32, #tpu.memory_space<vmem>>, vector<1x16xf32>,
        %get3A_279 = vector.shape_cast %get3A_278 : vector<1x16xf32> to vector<16xf32>
        %add3A_280 = arith.addf %get3A_275, %get3A_279 : vector<16xf32>
        %exp3A = math.exp %add3A_280 : vector<16xf32>
        %add3A_281 = arith.constant 1.000000e+00 : f32
        %add3A_282 = vector.broadcast %add3A_281 : f32 to vector<16xf32>
        %add3A_283 = arith.addf %exp3A, %add3A_282 : vector<16xf32>
        %div3A = arith.constant 2.000000e+00 : f32
        %div3A_284 = vector.broadcast %div3A : f32 to vector<16xf32>
        %div3A_285 = arith.divf %div3A_284, %add3A_283 : vector<16xf32>
        %sub3A = arith.constant 1.000000e+00 : f32
        %sub3A_286 = vector.broadcast %sub3A : f32 to vector<16xf32>
        %sub3A_287 = arith.subf %sub3A_286, %div3A_285 : vector<16xf32>
        %swap3A = arith.index_cast %add3A_272 : i32 to index
        %swap3A_288 = arith.constant 0 : index
        %swap3A_289 = tpu.vector_load %arg18[%swap3A, %swap3A_288] {strides = array<i32>} : memref<96x128xf32, #tpu.memory_space<vmem>>, vector<1x16xf32>,
        %swap3A_290 = vector.shape_cast %swap3A_289 : vector<1x16xf32> to vector<16xf32>
        %swap3A_291 = vector.shape_cast %sub3A_287 : vector<16xf32> to vector<1x16xf32>
        tpu.vector_store %arg18[%swap3A, %swap3A_288], %swap3A_291 {strides = array<i32>} : memref<96x128xf32, #tpu.memory_space<vmem>>, vector<1x16xf32>,
        %get3A_292 = arith.index_cast %add3A_272 : i32 to index
        %get3A_293 = arith.constant 16 : index
        %get3A_294 = tpu.vector_load %arg18[%get3A_292, %get3A_293] {strides = array<i32>} : memref<96x128xf32, #tpu.memory_space<vmem>>, vector<1x16xf32>,
        %get3A_295 = vector.shape_cast %get3A_294 : vector<1x16xf32> to vector<16xf32>
        %get3A_296 = arith.index_cast %add3A_272 : i32 to index
        %get3A_297 = arith.constant 16 : index
        %get3A_298 = tpu.vector_load %arg20[%get3A_296, %get3A_297] {strides = array<i32>} : memref<96x128xf32, #tpu.memory_space<vmem>>, vector<1x16xf32>,
        %get3A_299 = vector.shape_cast %get3A_298 : vector<1x16xf32> to vector<16xf32>
        %add3A_300 = arith.addf %get3A_295, %get3A_299 : vector<16xf32>
        %exp3A_301 = math.exp %add3A_300 : vector<16xf32>
        %add3A_302 = arith.constant 1.000000e+00 : f32
        %add3A_303 = vector.broadcast %add3A_302 : f32 to vector<16xf32>
        %add3A_304 = arith.addf %exp3A_301, %add3A_303 : vector<16xf32>
        %div3A_305 = arith.constant 2.000000e+00 : f32
        %div3A_306 = vector.broadcast %div3A_305 : f32 to vector<16xf32>
        %div3A_307 = arith.divf %div3A_306, %add3A_304 : vector<16xf32>
        %sub3A_308 = arith.constant 1.000000e+00 : f32
        %sub3A_309 = vector.broadcast %sub3A_308 : f32 to vector<16xf32>
        %sub3A_310 = arith.subf %sub3A_309, %div3A_307 : vector<16xf32>
        %swap3A_311 = arith.index_cast %add3A_272 : i32 to index
        %swap3A_312 = arith.constant 16 : index
        %swap3A_313 = tpu.vector_load %arg18[%swap3A_311, %swap3A_312] {strides = array<i32>} : memref<96x128xf32, #tpu.memory_space<vmem>>, vector<1x16xf32>,
        %swap3A_314 = vector.shape_cast %swap3A_313 : vector<1x16xf32> to vector<16xf32>
        %swap3A_315 = vector.shape_cast %sub3A_310 : vector<16xf32> to vector<1x16xf32>
        tpu.vector_store %arg18[%swap3A_311, %swap3A_312], %swap3A_315 {strides = array<i32>} : memref<96x128xf32, #tpu.memory_space<vmem>>, vector<1x16xf32>,
        %get3A_316 = arith.index_cast %add3A_272 : i32 to index
        %get3A_317 = arith.constant 32 : index
        %get3A_318 = tpu.vector_load %arg18[%get3A_316, %get3A_317] {strides = array<i32>} : memref<96x128xf32, #tpu.memory_space<vmem>>, vector<1x16xf32>,
        %get3A_319 = vector.shape_cast %get3A_318 : vector<1x16xf32> to vector<16xf32>
        %get3A_320 = arith.index_cast %add3A_272 : i32 to index
        %get3A_321 = arith.constant 32 : index
        %get3A_322 = tpu.vector_load %arg20[%get3A_320, %get3A_321] {strides = array<i32>} : memref<96x128xf32, #tpu.memory_space<vmem>>, vector<1x16xf32>,
        %get3A_323 = vector.shape_cast %get3A_322 : vector<1x16xf32> to vector<16xf32>
        %add3A_324 = arith.addf %get3A_319, %get3A_323 : vector<16xf32>
        %exp3A_325 = math.exp %add3A_324 : vector<16xf32>
        %add3A_326 = arith.constant 1.000000e+00 : f32
        %add3A_327 = vector.broadcast %add3A_326 : f32 to vector<16xf32>
        %add3A_328 = arith.addf %exp3A_325, %add3A_327 : vector<16xf32>
        %div3A_329 = arith.constant 2.000000e+00 : f32
        %div3A_330 = vector.broadcast %div3A_329 : f32 to vector<16xf32>
        %div3A_331 = arith.divf %div3A_330, %add3A_328 : vector<16xf32>
        %sub3A_332 = arith.constant 1.000000e+00 : f32
        %sub3A_333 = vector.broadcast %sub3A_332 : f32 to vector<16xf32>
        %sub3A_334 = arith.subf %sub3A_333, %div3A_331 : vector<16xf32>
        %swap3A_335 = arith.index_cast %add3A_272 : i32 to index
        %swap3A_336 = arith.constant 32 : index
        %swap3A_337 = tpu.vector_load %arg18[%swap3A_335, %swap3A_336] {strides = array<i32>} : memref<96x128xf32, #tpu.memory_space<vmem>>, vector<1x16xf32>,
        %swap3A_338 = vector.shape_cast %swap3A_337 : vector<1x16xf32> to vector<16xf32>
        %swap3A_339 = vector.shape_cast %sub3A_334 : vector<16xf32> to vector<1x16xf32>
        tpu.vector_store %arg18[%swap3A_335, %swap3A_336], %swap3A_339 {strides = array<i32>} : memref<96x128xf32, #tpu.memory_space<vmem>>, vector<1x16xf32>,
        %get3A_340 = arith.index_cast %add3A_272 : i32 to index
        %get3A_341 = arith.constant 48 : index
        %get3A_342 = tpu.vector_load %arg18[%get3A_340, %get3A_341] {strides = array<i32>} : memref<96x128xf32, #tpu.memory_space<vmem>>, vector<1x16xf32>,
        %get3A_343 = vector.shape_cast %get3A_342 : vector<1x16xf32> to vector<16xf32>
        %get3A_344 = arith.index_cast %add3A_272 : i32 to index
        %get3A_345 = arith.constant 48 : index
        %get3A_346 = tpu.vector_load %arg20[%get3A_344, %get3A_345] {strides = array<i32>} : memref<96x128xf32, #tpu.memory_space<vmem>>, vector<1x16xf32>,
        %get3A_347 = vector.shape_cast %get3A_346 : vector<1x16xf32> to vector<16xf32>
        %add3A_348 = arith.addf %get3A_343, %get3A_347 : vector<16xf32>
        %exp3A_349 = math.exp %add3A_348 : vector<16xf32>
        %add3A_350 = arith.constant 1.000000e+00 : f32
        %add3A_351 = vector.broadcast %add3A_350 : f32 to vector<16xf32>
        %add3A_352 = arith.addf %exp3A_349, %add3A_351 : vector<16xf32>
        %div3A_353 = arith.constant 2.000000e+00 : f32
        %div3A_354 = vector.broadcast %div3A_353 : f32 to vector<16xf32>
        %div3A_355 = arith.divf %div3A_354, %add3A_352 : vector<16xf32>
        %sub3A_356 = arith.constant 1.000000e+00 : f32
        %sub3A_357 = vector.broadcast %sub3A_356 : f32 to vector<16xf32>
        %sub3A_358 = arith.subf %sub3A_357, %div3A_355 : vector<16xf32>
        %swap3A_359 = arith.index_cast %add3A_272 : i32 to index
        %swap3A_360 = arith.constant 48 : index
        %swap3A_361 = tpu.vector_load %arg18[%swap3A_359, %swap3A_360] {strides = array<i32>} : memref<96x128xf32, #tpu.memory_space<vmem>>, vector<1x16xf32>,
        %swap3A_362 = vector.shape_cast %swap3A_361 : vector<1x16xf32> to vector<16xf32>
        %swap3A_363 = vector.shape_cast %sub3A_358 : vector<16xf32> to vector<1x16xf32>
        tpu.vector_store %arg18[%swap3A_359, %swap3A_360], %swap3A_363 {strides = array<i32>} : memref<96x128xf32, #tpu.memory_space<vmem>>, vector<1x16xf32>,
        %get3A_364 = arith.index_cast %add3A_272 : i32 to index
        %get3A_365 = arith.constant 64 : index
        %get3A_366 = tpu.vector_load %arg18[%get3A_364, %get3A_365] {strides = array<i32>} : memref<96x128xf32, #tpu.memory_space<vmem>>, vector<1x16xf32>,
        %get3A_367 = vector.shape_cast %get3A_366 : vector<1x16xf32> to vector<16xf32>
        %get3A_368 = arith.index_cast %add3A_272 : i32 to index
        %get3A_369 = arith.constant 64 : index
        %get3A_370 = tpu.vector_load %arg20[%get3A_368, %get3A_369] {strides = array<i32>} : memref<96x128xf32, #tpu.memory_space<vmem>>, vector<1x16xf32>,
        %get3A_371 = vector.shape_cast %get3A_370 : vector<1x16xf32> to vector<16xf32>
        %add3A_372 = arith.addf %get3A_367, %get3A_371 : vector<16xf32>
        %exp3A_373 = math.exp %add3A_372 : vector<16xf32>
        %add3A_374 = arith.constant 1.000000e+00 : f32
        %add3A_375 = vector.broadcast %add3A_374 : f32 to vector<16xf32>
        %add3A_376 = arith.addf %exp3A_373, %add3A_375 : vector<16xf32>
        %div3A_377 = arith.constant 2.000000e+00 : f32
        %div3A_378 = vector.broadcast %div3A_377 : f32 to vector<16xf32>
        %div3A_379 = arith.divf %div3A_378, %add3A_376 : vector<16xf32>
        %sub3A_380 = arith.constant 1.000000e+00 : f32
        %sub3A_381 = vector.broadcast %sub3A_380 : f32 to vector<16xf32>
        %sub3A_382 = arith.subf %sub3A_381, %div3A_379 : vector<16xf32>
        %swap3A_383 = arith.index_cast %add3A_272 : i32 to index
        %swap3A_384 = arith.constant 64 : index
        %swap3A_385 = tpu.vector_load %arg18[%swap3A_383, %swap3A_384] {strides = array<i32>} : memref<96x128xf32, #tpu.memory_space<vmem>>, vector<1x16xf32>,
        %swap3A_386 = vector.shape_cast %swap3A_385 : vector<1x16xf32> to vector<16xf32>
        %swap3A_387 = vector.shape_cast %sub3A_382 : vector<16xf32> to vector<1x16xf32>
        tpu.vector_store %arg18[%swap3A_383, %swap3A_384], %swap3A_387 {strides = array<i32>} : memref<96x128xf32, #tpu.memory_space<vmem>>, vector<1x16xf32>,
        %get3A_388 = arith.index_cast %add3A_272 : i32 to index
        %get3A_389 = arith.constant 80 : index
        %get3A_390 = tpu.vector_load %arg18[%get3A_388, %get3A_389] {strides = array<i32>} : memref<96x128xf32, #tpu.memory_space<vmem>>, vector<1x16xf32>,
        %get3A_391 = vector.shape_cast %get3A_390 : vector<1x16xf32> to vector<16xf32>
        %get3A_392 = arith.index_cast %add3A_272 : i32 to index
        %get3A_393 = arith.constant 80 : index
        %get3A_394 = tpu.vector_load %arg20[%get3A_392, %get3A_393] {strides = array<i32>} : memref<96x128xf32, #tpu.memory_space<vmem>>, vector<1x16xf32>,
        %get3A_395 = vector.shape_cast %get3A_394 : vector<1x16xf32> to vector<16xf32>
        %add3A_396 = arith.addf %get3A_391, %get3A_395 : vector<16xf32>
        %exp3A_397 = math.exp %add3A_396 : vector<16xf32>
        %add3A_398 = arith.constant 1.000000e+00 : f32
        %add3A_399 = vector.broadcast %add3A_398 : f32 to vector<16xf32>
        %add3A_400 = arith.addf %exp3A_397, %add3A_399 : vector<16xf32>
        %div3A_401 = arith.constant 2.000000e+00 : f32
        %div3A_402 = vector.broadcast %div3A_401 : f32 to vector<16xf32>
        %div3A_403 = arith.divf %div3A_402, %add3A_400 : vector<16xf32>
        %sub3A_404 = arith.constant 1.000000e+00 : f32
        %sub3A_405 = vector.broadcast %sub3A_404 : f32 to vector<16xf32>
        %sub3A_406 = arith.subf %sub3A_405, %div3A_403 : vector<16xf32>
        %swap3A_407 = arith.index_cast %add3A_272 : i32 to index
        %swap3A_408 = arith.constant 80 : index
        %swap3A_409 = tpu.vector_load %arg18[%swap3A_407, %swap3A_408] {strides = array<i32>} : memref<96x128xf32, #tpu.memory_space<vmem>>, vector<1x16xf32>,
        %swap3A_410 = vector.shape_cast %swap3A_409 : vector<1x16xf32> to vector<16xf32>
        %swap3A_411 = vector.shape_cast %sub3A_406 : vector<16xf32> to vector<1x16xf32>
        tpu.vector_store %arg18[%swap3A_407, %swap3A_408], %swap3A_411 {strides = array<i32>} : memref<96x128xf32, #tpu.memory_space<vmem>>, vector<1x16xf32>,
        %get3A_412 = arith.index_cast %add3A_272 : i32 to index
        %get3A_413 = arith.constant 96 : index
        %get3A_414 = tpu.vector_load %arg18[%get3A_412, %get3A_413] {strides = array<i32>} : memref<96x128xf32, #tpu.memory_space<vmem>>, vector<1x16xf32>,
        %get3A_415 = vector.shape_cast %get3A_414 : vector<1x16xf32> to vector<16xf32>
        %get3A_416 = arith.index_cast %add3A_272 : i32 to index
        %get3A_417 = arith.constant 96 : index
        %get3A_418 = tpu.vector_load %arg20[%get3A_416, %get3A_417] {strides = array<i32>} : memref<96x128xf32, #tpu.memory_space<vmem>>, vector<1x16xf32>,
        %get3A_419 = vector.shape_cast %get3A_418 : vector<1x16xf32> to vector<16xf32>
        %add3A_420 = arith.addf %get3A_415, %get3A_419 : vector<16xf32>
        %exp3A_421 = math.exp %add3A_420 : vector<16xf32>
        %add3A_422 = arith.constant 1.000000e+00 : f32
        %add3A_423 = vector.broadcast %add3A_422 : f32 to vector<16xf32>
        %add3A_424 = arith.addf %exp3A_421, %add3A_423 : vector<16xf32>
        %div3A_425 = arith.constant 2.000000e+00 : f32
        %div3A_426 = vector.broadcast %div3A_425 : f32 to vector<16xf32>
        %div3A_427 = arith.divf %div3A_426, %add3A_424 : vector<16xf32>
        %sub3A_428 = arith.constant 1.000000e+00 : f32
        %sub3A_429 = vector.broadcast %sub3A_428 : f32 to vector<16xf32>
        %sub3A_430 = arith.subf %sub3A_429, %div3A_427 : vector<16xf32>
        %swap3A_431 = arith.index_cast %add3A_272 : i32 to index
        %swap3A_432 = arith.constant 96 : index
        %swap3A_433 = tpu.vector_load %arg18[%swap3A_431, %swap3A_432] {strides = array<i32>} : memref<96x128xf32, #tpu.memory_space<vmem>>, vector<1x16xf32>,
        %swap3A_434 = vector.shape_cast %swap3A_433 : vector<1x16xf32> to vector<16xf32>
        %swap3A_435 = vector.shape_cast %sub3A_430 : vector<16xf32> to vector<1x16xf32>
        tpu.vector_store %arg18[%swap3A_431, %swap3A_432], %swap3A_435 {strides = array<i32>} : memref<96x128xf32, #tpu.memory_space<vmem>>, vector<1x16xf32>,
        %get3A_436 = arith.index_cast %add3A_272 : i32 to index
        %get3A_437 = arith.constant 112 : index
        %get3A_438 = tpu.vector_load %arg18[%get3A_436, %get3A_437] {strides = array<i32>} : memref<96x128xf32, #tpu.memory_space<vmem>>, vector<1x16xf32>,
        %get3A_439 = vector.shape_cast %get3A_438 : vector<1x16xf32> to vector<16xf32>
        %get3A_440 = arith.index_cast %add3A_272 : i32 to index
        %get3A_441 = arith.constant 112 : index
        %get3A_442 = tpu.vector_load %arg20[%get3A_440, %get3A_441] {strides = array<i32>} : memref<96x128xf32, #tpu.memory_space<vmem>>, vector<1x16xf32>,
        %get3A_443 = vector.shape_cast %get3A_442 : vector<1x16xf32> to vector<16xf32>
        %add3A_444 = arith.addf %get3A_439, %get3A_443 : vector<16xf32>
        %exp3A_445 = math.exp %add3A_444 : vector<16xf32>
        %add3A_446 = arith.constant 1.000000e+00 : f32
        %add3A_447 = vector.broadcast %add3A_446 : f32 to vector<16xf32>
        %add3A_448 = arith.addf %exp3A_445, %add3A_447 : vector<16xf32>
        %div3A_449 = arith.constant 2.000000e+00 : f32
        %div3A_450 = vector.broadcast %div3A_449 : f32 to vector<16xf32>
        %div3A_451 = arith.divf %div3A_450, %add3A_448 : vector<16xf32>
        %sub3A_452 = arith.constant 1.000000e+00 : f32
        %sub3A_453 = vector.broadcast %sub3A_452 : f32 to vector<16xf32>
        %sub3A_454 = arith.subf %sub3A_453, %div3A_451 : vector<16xf32>
        %swap3A_455 = arith.index_cast %add3A_272 : i32 to index
        %swap3A_456 = arith.constant 112 : index
        %swap3A_457 = tpu.vector_load %arg18[%swap3A_455, %swap3A_456] {strides = array<i32>} : memref<96x128xf32, #tpu.memory_space<vmem>>, vector<1x16xf32>,
        %swap3A_458 = vector.shape_cast %swap3A_457 : vector<1x16xf32> to vector<16xf32>
        %swap3A_459 = vector.shape_cast %sub3A_454 : vector<16xf32> to vector<1x16xf32>
        tpu.vector_store %arg18[%swap3A_455, %swap3A_456], %swap3A_459 {strides = array<i32>} : memref<96x128xf32, #tpu.memory_space<vmem>>, vector<1x16xf32>,
      }
      %scan3A_150 = arith.constant 96 : i32
      %dma_start3A_151 = arith.constant 0 : i32
      %dma_start3A_152 = arith.constant 0 : i32
      %dma_start3A_153 = tpu.memref_slice %arg21[%dma_start3A_151, %dma_start3A_152] : memref<10112x128xf32, #tpu.memory_space<vmem_shared>> -> memref<10112x128xf32, #tpu.memory_space<vmem_shared>>
      tpu.enqueue_indirect_dma source(%arg18 : memref<96x128xf32, #tpu.memory_space<vmem>>) target(%dma_start3A_153 : memref<10112x128xf32, #tpu.memory_space<vmem_shared>>) offsets(%arg14 : memref<96xi32, #tpu.memory_space<vmem>>) semaphore(%arg27 : memref<!tpu.dma_semaphore, #tpu.memory_space<semaphore_mem>>) {add = true}
      %add3A_154 = arith.constant 2 : i32
      %add3A_155 = arith.addi %add3A_118, %add3A_154 : i32
      %mul3A_156 = arith.constant 96 : i32
      %mul3A_157 = arith.muli %add3A_155, %mul3A_156 : i32
      %add3A_158 = arith.addi %multiple_of3A_5, %mul3A_157 : i32
      %multiple_of3A_159 = tpu.assume_multiple %add3A_158, 8 : i32
      %dma_start3A_160 = tpu.memref_slice %arg2[%multiple_of3A_159] : memref<332032xi32, #tpu.memory_space<hbm>> -> memref<96xi32, #tpu.memory_space<hbm>>
      %dma_start3A_161 = tpu.memref_slice %arg2[%multiple_of3A_159] : memref<332032xi32, #tpu.memory_space<hbm>> -> memref<96xi32, #tpu.memory_space<hbm>>
      tpu.enqueue_dma source(%dma_start3A_161 : memref<96xi32, #tpu.memory_space<hbm>>) target(%arg10 : memref<96xi32, #tpu.memory_space<vmem>>) target_semaphore(%arg23 : memref<!tpu.dma_semaphore, #tpu.memory_space<semaphore_mem>>)
      %dma_start3A_162 = tpu.memref_slice %arg3[%multiple_of3A_159] : memref<332032xi32, #tpu.memory_space<hbm>> -> memref<96xi32, #tpu.memory_space<hbm>>
      %dma_start3A_163 = tpu.memref_slice %arg3[%multiple_of3A_159] : memref<332032xi32, #tpu.memory_space<hbm>> -> memref<96xi32, #tpu.memory_space<hbm>>
      tpu.enqueue_dma source(%dma_start3A_163 : memref<96xi32, #tpu.memory_space<hbm>>) target(%arg12 : memref<96xi32, #tpu.memory_space<vmem>>) target_semaphore(%arg23 : memref<!tpu.dma_semaphore, #tpu.memory_space<semaphore_mem>>)
      %dma_start3A_164 = tpu.memref_slice %arg4[%multiple_of3A_159] : memref<332032xi32, #tpu.memory_space<hbm>> -> memref<96xi32, #tpu.memory_space<hbm>>
      %dma_start3A_165 = tpu.memref_slice %arg4[%multiple_of3A_159] : memref<332032xi32, #tpu.memory_space<hbm>> -> memref<96xi32, #tpu.memory_space<hbm>>
      tpu.enqueue_dma source(%dma_start3A_165 : memref<96xi32, #tpu.memory_space<hbm>>) target(%arg16 : memref<96xi32, #tpu.memory_space<vmem>>) target_semaphore(%arg23 : memref<!tpu.dma_semaphore, #tpu.memory_space<semaphore_mem>>)
      %mul3A_166 = arith.constant 4 : i32
      %mul3A_167 = arith.muli %add3A_64, %mul3A_166 : i32
      %add3A_168 = arith.constant 2 : i32
      %add3A_169 = arith.addi %mul3A_167, %add3A_168 : i32
      %add3A_170 = arith.constant 1 : i32
      %add3A_171 = arith.addi %add3A_169, %add3A_170 : i32
      %mul3A_172 = arith.constant 96 : i32
      %mul3A_173 = arith.muli %add3A_171, %mul3A_172 : i32
      %add3A_174 = arith.addi %multiple_of3A_5, %mul3A_173 : i32
      %multiple_of3A_175 = tpu.assume_multiple %add3A_174, 8 : i32
      %dma_wait3A_176 = tpu.memref_slice %arg2[%multiple_of3A_175] : memref<332032xi32, #tpu.memory_space<hbm>> -> memref<96xi32, #tpu.memory_space<hbm>>
      %dma_wait3A_177 = tpu.memref_slice %arg2[%multiple_of3A_175] : memref<332032xi32, #tpu.memory_space<hbm>> -> memref<96xi32, #tpu.memory_space<hbm>>
      tpu.wait_dma2 semaphore(%arg23 : memref<!tpu.dma_semaphore, #tpu.memory_space<semaphore_mem>>) src(%dma_wait3A_177 : memref<96xi32, #tpu.memory_space<hbm>>) dst(%arg10 : memref<96xi32, #tpu.memory_space<vmem>>)
      %dma_wait3A_178 = tpu.memref_slice %arg3[%multiple_of3A_175] : memref<332032xi32, #tpu.memory_space<hbm>> -> memref<96xi32, #tpu.memory_space<hbm>>
      %dma_wait3A_179 = tpu.memref_slice %arg3[%multiple_of3A_175] : memref<332032xi32, #tpu.memory_space<hbm>> -> memref<96xi32, #tpu.memory_space<hbm>>
      tpu.wait_dma2 semaphore(%arg23 : memref<!tpu.dma_semaphore, #tpu.memory_space<semaphore_mem>>) src(%dma_wait3A_179 : memref<96xi32, #tpu.memory_space<hbm>>) dst(%arg12 : memref<96xi32, #tpu.memory_space<vmem>>)
      %dma_wait3A_180 = tpu.memref_slice %arg4[%multiple_of3A_175] : memref<332032xi32, #tpu.memory_space<hbm>> -> memref<96xi32, #tpu.memory_space<hbm>>
      %dma_wait3A_181 = tpu.memref_slice %arg4[%multiple_of3A_175] : memref<332032xi32, #tpu.memory_space<hbm>> -> memref<96xi32, #tpu.memory_space<hbm>>
      tpu.wait_dma2 semaphore(%arg23 : memref<!tpu.dma_semaphore, #tpu.memory_space<semaphore_mem>>) src(%dma_wait3A_181 : memref<96xi32, #tpu.memory_space<hbm>>) dst(%arg16 : memref<96xi32, #tpu.memory_space<vmem>>)
      %dma_wait3A_182 = arith.constant 0 : i32
      %dma_wait3A_183 = arith.constant 0 : i32
      %dma_wait3A_184 = tpu.memref_slice %arg21[%dma_wait3A_182, %dma_wait3A_183] : memref<10112x128xf32, #tpu.memory_space<vmem_shared>> -> memref<10112x128xf32, #tpu.memory_space<vmem_shared>>
      tpu.wait_indirect_dma semaphore(%arg27 : memref<!tpu.dma_semaphore, #tpu.memory_space<semaphore_mem>>) src(%arg18 : memref<96x128xf32, #tpu.memory_space<vmem>>) dst(%dma_wait3A_184 : memref<10112x128xf32, #tpu.memory_space<vmem_shared>>)
      %dma_start3A_185 = arith.constant 0 : i32
      %dma_start3A_186 = arith.constant 0 : i32
      %dma_start3A_187 = tpu.memref_slice %arg5[%dma_start3A_185, %dma_start3A_186] : memref<20000x128xf32, #tpu.memory_space<hbm>> -> memref<20000x128xf32, #tpu.memory_space<hbm>>
      tpu.enqueue_indirect_dma source(%dma_start3A_187 : memref<20000x128xf32, #tpu.memory_space<hbm>>) target(%arg18 : memref<96x128xf32, #tpu.memory_space<vmem>>) offsets(%arg10 : memref<96xi32, #tpu.memory_space<vmem>>) semaphore(%arg25 : memref<!tpu.dma_semaphore, #tpu.memory_space<semaphore_mem>>)
      %dma_start3A_188 = arith.constant 0 : i32
      %dma_start3A_189 = arith.constant 0 : i32
      %dma_start3A_190 = tpu.memref_slice %arg6[%dma_start3A_188, %dma_start3A_189] : memref<20000x128xf32, #tpu.memory_space<hbm>> -> memref<20000x128xf32, #tpu.memory_space<hbm>>
      tpu.enqueue_indirect_dma source(%dma_start3A_190 : memref<20000x128xf32, #tpu.memory_space<hbm>>) target(%arg20 : memref<96x128xf32, #tpu.memory_space<vmem>>) offsets(%arg12 : memref<96xi32, #tpu.memory_space<vmem>>) semaphore(%arg25 : memref<!tpu.dma_semaphore, #tpu.memory_space<semaphore_mem>>)
      %dma_wait3A_191 = arith.constant 0 : i32
      %dma_wait3A_192 = arith.constant 0 : i32
      %dma_wait3A_193 = tpu.memref_slice %arg5[%dma_wait3A_191, %dma_wait3A_192] : memref<20000x128xf32, #tpu.memory_space<hbm>> -> memref<20000x128xf32, #tpu.memory_space<hbm>>
      tpu.wait_indirect_dma semaphore(%arg24 : memref<!tpu.dma_semaphore, #tpu.memory_space<semaphore_mem>>) src(%dma_wait3A_193 : memref<20000x128xf32, #tpu.memory_space<hbm>>) dst(%arg17 : memref<96x128xf32, #tpu.memory_space<vmem>>)
      %dma_wait3A_194 = arith.constant 0 : i32
      %dma_wait3A_195 = arith.constant 0 : i32
      %dma_wait3A_196 = tpu.memref_slice %arg6[%dma_wait3A_194, %dma_wait3A_195] : memref<20000x128xf32, #tpu.memory_space<hbm>> -> memref<20000x128xf32, #tpu.memory_space<hbm>>
      tpu.wait_indirect_dma semaphore(%arg24 : memref<!tpu.dma_semaphore, #tpu.memory_space<semaphore_mem>>) src(%dma_wait3A_196 : memref<20000x128xf32, #tpu.memory_space<hbm>>) dst(%arg19 : memref<96x128xf32, #tpu.memory_space<vmem>>)
      %scan3A_197 = arith.constant 0 : i32
      %scan3A_198 = arith.constant 96 : i32
      %scan3A_199 = arith.addi %scan3A_197, %scan3A_198 : i32
      %scan3A_200 = arith.constant 1 : i32
      scf.for %scan3A_268 = %scan3A_197 to %scan3A_199 step %scan3A_200  : i32 {
        %mul3A_269 = arith.constant 1 : i32
        %mul3A_270 = arith.muli %scan3A_268, %mul3A_269 : i32
        %add3A_271 = arith.constant 0 : i32
        %add3A_272 = arith.addi %add3A_271, %mul3A_270 : i32
        %get3A = arith.index_cast %add3A_272 : i32 to index
        %get3A_273 = arith.constant 0 : index
        %get3A_274 = tpu.vector_load %arg17[%get3A, %get3A_273] {strides = array<i32>} : memref<96x128xf32, #tpu.memory_space<vmem>>, vector<1x16xf32>,
        %get3A_275 = vector.shape_cast %get3A_274 : vector<1x16xf32> to vector<16xf32>
        %get3A_276 = arith.index_cast %add3A_272 : i32 to index
        %get3A_277 = arith.constant 0 : index
        %get3A_278 = tpu.vector_load %arg19[%get3A_276, %get3A_277] {strides = array<i32>} : memref<96x128xf32, #tpu.memory_space<vmem>>, vector<1x16xf32>,
        %get3A_279 = vector.shape_cast %get3A_278 : vector<1x16xf32> to vector<16xf32>
        %add3A_280 = arith.addf %get3A_275, %get3A_279 : vector<16xf32>
        %exp3A = math.exp %add3A_280 : vector<16xf32>
        %add3A_281 = arith.constant 1.000000e+00 : f32
        %add3A_282 = vector.broadcast %add3A_281 : f32 to vector<16xf32>
        %add3A_283 = arith.addf %exp3A, %add3A_282 : vector<16xf32>
        %div3A = arith.constant 2.000000e+00 : f32
        %div3A_284 = vector.broadcast %div3A : f32 to vector<16xf32>
        %div3A_285 = arith.divf %div3A_284, %add3A_283 : vector<16xf32>
        %sub3A = arith.constant 1.000000e+00 : f32
        %sub3A_286 = vector.broadcast %sub3A : f32 to vector<16xf32>
        %sub3A_287 = arith.subf %sub3A_286, %div3A_285 : vector<16xf32>
        %swap3A = arith.index_cast %add3A_272 : i32 to index
        %swap3A_288 = arith.constant 0 : index
        %swap3A_289 = tpu.vector_load %arg17[%swap3A, %swap3A_288] {strides = array<i32>} : memref<96x128xf32, #tpu.memory_space<vmem>>, vector<1x16xf32>,
        %swap3A_290 = vector.shape_cast %swap3A_289 : vector<1x16xf32> to vector<16xf32>
        %swap3A_291 = vector.shape_cast %sub3A_287 : vector<16xf32> to vector<1x16xf32>
        tpu.vector_store %arg17[%swap3A, %swap3A_288], %swap3A_291 {strides = array<i32>} : memref<96x128xf32, #tpu.memory_space<vmem>>, vector<1x16xf32>,
        %get3A_292 = arith.index_cast %add3A_272 : i32 to index
        %get3A_293 = arith.constant 16 : index
        %get3A_294 = tpu.vector_load %arg17[%get3A_292, %get3A_293] {strides = array<i32>} : memref<96x128xf32, #tpu.memory_space<vmem>>, vector<1x16xf32>,
        %get3A_295 = vector.shape_cast %get3A_294 : vector<1x16xf32> to vector<16xf32>
        %get3A_296 = arith.index_cast %add3A_272 : i32 to index
        %get3A_297 = arith.constant 16 : index
        %get3A_298 = tpu.vector_load %arg19[%get3A_296, %get3A_297] {strides = array<i32>} : memref<96x128xf32, #tpu.memory_space<vmem>>, vector<1x16xf32>,
        %get3A_299 = vector.shape_cast %get3A_298 : vector<1x16xf32> to vector<16xf32>
        %add3A_300 = arith.addf %get3A_295, %get3A_299 : vector<16xf32>
        %exp3A_301 = math.exp %add3A_300 : vector<16xf32>
        %add3A_302 = arith.constant 1.000000e+00 : f32
        %add3A_303 = vector.broadcast %add3A_302 : f32 to vector<16xf32>
        %add3A_304 = arith.addf %exp3A_301, %add3A_303 : vector<16xf32>
        %div3A_305 = arith.constant 2.000000e+00 : f32
        %div3A_306 = vector.broadcast %div3A_305 : f32 to vector<16xf32>
        %div3A_307 = arith.divf %div3A_306, %add3A_304 : vector<16xf32>
        %sub3A_308 = arith.constant 1.000000e+00 : f32
        %sub3A_309 = vector.broadcast %sub3A_308 : f32 to vector<16xf32>
        %sub3A_310 = arith.subf %sub3A_309, %div3A_307 : vector<16xf32>
        %swap3A_311 = arith.index_cast %add3A_272 : i32 to index
        %swap3A_312 = arith.constant 16 : index
        %swap3A_313 = tpu.vector_load %arg17[%swap3A_311, %swap3A_312] {strides = array<i32>} : memref<96x128xf32, #tpu.memory_space<vmem>>, vector<1x16xf32>,
        %swap3A_314 = vector.shape_cast %swap3A_313 : vector<1x16xf32> to vector<16xf32>
        %swap3A_315 = vector.shape_cast %sub3A_310 : vector<16xf32> to vector<1x16xf32>
        tpu.vector_store %arg17[%swap3A_311, %swap3A_312], %swap3A_315 {strides = array<i32>} : memref<96x128xf32, #tpu.memory_space<vmem>>, vector<1x16xf32>,
        %get3A_316 = arith.index_cast %add3A_272 : i32 to index
        %get3A_317 = arith.constant 32 : index
        %get3A_318 = tpu.vector_load %arg17[%get3A_316, %get3A_317] {strides = array<i32>} : memref<96x128xf32, #tpu.memory_space<vmem>>, vector<1x16xf32>,
        %get3A_319 = vector.shape_cast %get3A_318 : vector<1x16xf32> to vector<16xf32>
        %get3A_320 = arith.index_cast %add3A_272 : i32 to index
        %get3A_321 = arith.constant 32 : index
        %get3A_322 = tpu.vector_load %arg19[%get3A_320, %get3A_321] {strides = array<i32>} : memref<96x128xf32, #tpu.memory_space<vmem>>, vector<1x16xf32>,
        %get3A_323 = vector.shape_cast %get3A_322 : vector<1x16xf32> to vector<16xf32>
        %add3A_324 = arith.addf %get3A_319, %get3A_323 : vector<16xf32>
        %exp3A_325 = math.exp %add3A_324 : vector<16xf32>
        %add3A_326 = arith.constant 1.000000e+00 : f32
        %add3A_327 = vector.broadcast %add3A_326 : f32 to vector<16xf32>
        %add3A_328 = arith.addf %exp3A_325, %add3A_327 : vector<16xf32>
        %div3A_329 = arith.constant 2.000000e+00 : f32
        %div3A_330 = vector.broadcast %div3A_329 : f32 to vector<16xf32>
        %div3A_331 = arith.divf %div3A_330, %add3A_328 : vector<16xf32>
        %sub3A_332 = arith.constant 1.000000e+00 : f32
        %sub3A_333 = vector.broadcast %sub3A_332 : f32 to vector<16xf32>
        %sub3A_334 = arith.subf %sub3A_333, %div3A_331 : vector<16xf32>
        %swap3A_335 = arith.index_cast %add3A_272 : i32 to index
        %swap3A_336 = arith.constant 32 : index
        %swap3A_337 = tpu.vector_load %arg17[%swap3A_335, %swap3A_336] {strides = array<i32>} : memref<96x128xf32, #tpu.memory_space<vmem>>, vector<1x16xf32>,
        %swap3A_338 = vector.shape_cast %swap3A_337 : vector<1x16xf32> to vector<16xf32>
        %swap3A_339 = vector.shape_cast %sub3A_334 : vector<16xf32> to vector<1x16xf32>
        tpu.vector_store %arg17[%swap3A_335, %swap3A_336], %swap3A_339 {strides = array<i32>} : memref<96x128xf32, #tpu.memory_space<vmem>>, vector<1x16xf32>,
        %get3A_340 = arith.index_cast %add3A_272 : i32 to index
        %get3A_341 = arith.constant 48 : index
        %get3A_342 = tpu.vector_load %arg17[%get3A_340, %get3A_341] {strides = array<i32>} : memref<96x128xf32, #tpu.memory_space<vmem>>, vector<1x16xf32>,
        %get3A_343 = vector.shape_cast %get3A_342 : vector<1x16xf32> to vector<16xf32>
        %get3A_344 = arith.index_cast %add3A_272 : i32 to index
        %get3A_345 = arith.constant 48 : index
        %get3A_346 = tpu.vector_load %arg19[%get3A_344, %get3A_345] {strides = array<i32>} : memref<96x128xf32, #tpu.memory_space<vmem>>, vector<1x16xf32>,
        %get3A_347 = vector.shape_cast %get3A_346 : vector<1x16xf32> to vector<16xf32>
        %add3A_348 = arith.addf %get3A_343, %get3A_347 : vector<16xf32>
        %exp3A_349 = math.exp %add3A_348 : vector<16xf32>
        %add3A_350 = arith.constant 1.000000e+00 : f32
        %add3A_351 = vector.broadcast %add3A_350 : f32 to vector<16xf32>
        %add3A_352 = arith.addf %exp3A_349, %add3A_351 : vector<16xf32>
        %div3A_353 = arith.constant 2.000000e+00 : f32
        %div3A_354 = vector.broadcast %div3A_353 : f32 to vector<16xf32>
        %div3A_355 = arith.divf %div3A_354, %add3A_352 : vector<16xf32>
        %sub3A_356 = arith.constant 1.000000e+00 : f32
        %sub3A_357 = vector.broadcast %sub3A_356 : f32 to vector<16xf32>
        %sub3A_358 = arith.subf %sub3A_357, %div3A_355 : vector<16xf32>
        %swap3A_359 = arith.index_cast %add3A_272 : i32 to index
        %swap3A_360 = arith.constant 48 : index
        %swap3A_361 = tpu.vector_load %arg17[%swap3A_359, %swap3A_360] {strides = array<i32>} : memref<96x128xf32, #tpu.memory_space<vmem>>, vector<1x16xf32>,
        %swap3A_362 = vector.shape_cast %swap3A_361 : vector<1x16xf32> to vector<16xf32>
        %swap3A_363 = vector.shape_cast %sub3A_358 : vector<16xf32> to vector<1x16xf32>
        tpu.vector_store %arg17[%swap3A_359, %swap3A_360], %swap3A_363 {strides = array<i32>} : memref<96x128xf32, #tpu.memory_space<vmem>>, vector<1x16xf32>,
        %get3A_364 = arith.index_cast %add3A_272 : i32 to index
        %get3A_365 = arith.constant 64 : index
        %get3A_366 = tpu.vector_load %arg17[%get3A_364, %get3A_365] {strides = array<i32>} : memref<96x128xf32, #tpu.memory_space<vmem>>, vector<1x16xf32>,
        %get3A_367 = vector.shape_cast %get3A_366 : vector<1x16xf32> to vector<16xf32>
        %get3A_368 = arith.index_cast %add3A_272 : i32 to index
        %get3A_369 = arith.constant 64 : index
        %get3A_370 = tpu.vector_load %arg19[%get3A_368, %get3A_369] {strides = array<i32>} : memref<96x128xf32, #tpu.memory_space<vmem>>, vector<1x16xf32>,
        %get3A_371 = vector.shape_cast %get3A_370 : vector<1x16xf32> to vector<16xf32>
        %add3A_372 = arith.addf %get3A_367, %get3A_371 : vector<16xf32>
        %exp3A_373 = math.exp %add3A_372 : vector<16xf32>
        %add3A_374 = arith.constant 1.000000e+00 : f32
        %add3A_375 = vector.broadcast %add3A_374 : f32 to vector<16xf32>
        %add3A_376 = arith.addf %exp3A_373, %add3A_375 : vector<16xf32>
        %div3A_377 = arith.constant 2.000000e+00 : f32
        %div3A_378 = vector.broadcast %div3A_377 : f32 to vector<16xf32>
        %div3A_379 = arith.divf %div3A_378, %add3A_376 : vector<16xf32>
        %sub3A_380 = arith.constant 1.000000e+00 : f32
        %sub3A_381 = vector.broadcast %sub3A_380 : f32 to vector<16xf32>
        %sub3A_382 = arith.subf %sub3A_381, %div3A_379 : vector<16xf32>
        %swap3A_383 = arith.index_cast %add3A_272 : i32 to index
        %swap3A_384 = arith.constant 64 : index
        %swap3A_385 = tpu.vector_load %arg17[%swap3A_383, %swap3A_384] {strides = array<i32>} : memref<96x128xf32, #tpu.memory_space<vmem>>, vector<1x16xf32>,
        %swap3A_386 = vector.shape_cast %swap3A_385 : vector<1x16xf32> to vector<16xf32>
        %swap3A_387 = vector.shape_cast %sub3A_382 : vector<16xf32> to vector<1x16xf32>
        tpu.vector_store %arg17[%swap3A_383, %swap3A_384], %swap3A_387 {strides = array<i32>} : memref<96x128xf32, #tpu.memory_space<vmem>>, vector<1x16xf32>,
        %get3A_388 = arith.index_cast %add3A_272 : i32 to index
        %get3A_389 = arith.constant 80 : index
        %get3A_390 = tpu.vector_load %arg17[%get3A_388, %get3A_389] {strides = array<i32>} : memref<96x128xf32, #tpu.memory_space<vmem>>, vector<1x16xf32>,
        %get3A_391 = vector.shape_cast %get3A_390 : vector<1x16xf32> to vector<16xf32>
        %get3A_392 = arith.index_cast %add3A_272 : i32 to index
        %get3A_393 = arith.constant 80 : index
        %get3A_394 = tpu.vector_load %arg19[%get3A_392, %get3A_393] {strides = array<i32>} : memref<96x128xf32, #tpu.memory_space<vmem>>, vector<1x16xf32>,
        %get3A_395 = vector.shape_cast %get3A_394 : vector<1x16xf32> to vector<16xf32>
        %add3A_396 = arith.addf %get3A_391, %get3A_395 : vector<16xf32>
        %exp3A_397 = math.exp %add3A_396 : vector<16xf32>
        %add3A_398 = arith.constant 1.000000e+00 : f32
        %add3A_399 = vector.broadcast %add3A_398 : f32 to vector<16xf32>
        %add3A_400 = arith.addf %exp3A_397, %add3A_399 : vector<16xf32>
        %div3A_401 = arith.constant 2.000000e+00 : f32
        %div3A_402 = vector.broadcast %div3A_401 : f32 to vector<16xf32>
        %div3A_403 = arith.divf %div3A_402, %add3A_400 : vector<16xf32>
        %sub3A_404 = arith.constant 1.000000e+00 : f32
        %sub3A_405 = vector.broadcast %sub3A_404 : f32 to vector<16xf32>
        %sub3A_406 = arith.subf %sub3A_405, %div3A_403 : vector<16xf32>
        %swap3A_407 = arith.index_cast %add3A_272 : i32 to index
        %swap3A_408 = arith.constant 80 : index
        %swap3A_409 = tpu.vector_load %arg17[%swap3A_407, %swap3A_408] {strides = array<i32>} : memref<96x128xf32, #tpu.memory_space<vmem>>, vector<1x16xf32>,
        %swap3A_410 = vector.shape_cast %swap3A_409 : vector<1x16xf32> to vector<16xf32>
        %swap3A_411 = vector.shape_cast %sub3A_406 : vector<16xf32> to vector<1x16xf32>
        tpu.vector_store %arg17[%swap3A_407, %swap3A_408], %swap3A_411 {strides = array<i32>} : memref<96x128xf32, #tpu.memory_space<vmem>>, vector<1x16xf32>,
        %get3A_412 = arith.index_cast %add3A_272 : i32 to index
        %get3A_413 = arith.constant 96 : index
        %get3A_414 = tpu.vector_load %arg17[%get3A_412, %get3A_413] {strides = array<i32>} : memref<96x128xf32, #tpu.memory_space<vmem>>, vector<1x16xf32>,
        %get3A_415 = vector.shape_cast %get3A_414 : vector<1x16xf32> to vector<16xf32>
        %get3A_416 = arith.index_cast %add3A_272 : i32 to index
        %get3A_417 = arith.constant 96 : index
        %get3A_418 = tpu.vector_load %arg19[%get3A_416, %get3A_417] {strides = array<i32>} : memref<96x128xf32, #tpu.memory_space<vmem>>, vector<1x16xf32>,
        %get3A_419 = vector.shape_cast %get3A_418 : vector<1x16xf32> to vector<16xf32>
        %add3A_420 = arith.addf %get3A_415, %get3A_419 : vector<16xf32>
        %exp3A_421 = math.exp %add3A_420 : vector<16xf32>
        %add3A_422 = arith.constant 1.000000e+00 : f32
        %add3A_423 = vector.broadcast %add3A_422 : f32 to vector<16xf32>
        %add3A_424 = arith.addf %exp3A_421, %add3A_423 : vector<16xf32>
        %div3A_425 = arith.constant 2.000000e+00 : f32
        %div3A_426 = vector.broadcast %div3A_425 : f32 to vector<16xf32>
        %div3A_427 = arith.divf %div3A_426, %add3A_424 : vector<16xf32>
        %sub3A_428 = arith.constant 1.000000e+00 : f32
        %sub3A_429 = vector.broadcast %sub3A_428 : f32 to vector<16xf32>
        %sub3A_430 = arith.subf %sub3A_429, %div3A_427 : vector<16xf32>
        %swap3A_431 = arith.index_cast %add3A_272 : i32 to index
        %swap3A_432 = arith.constant 96 : index
        %swap3A_433 = tpu.vector_load %arg17[%swap3A_431, %swap3A_432] {strides = array<i32>} : memref<96x128xf32, #tpu.memory_space<vmem>>, vector<1x16xf32>,
        %swap3A_434 = vector.shape_cast %swap3A_433 : vector<1x16xf32> to vector<16xf32>
        %swap3A_435 = vector.shape_cast %sub3A_430 : vector<16xf32> to vector<1x16xf32>
        tpu.vector_store %arg17[%swap3A_431, %swap3A_432], %swap3A_435 {strides = array<i32>} : memref<96x128xf32, #tpu.memory_space<vmem>>, vector<1x16xf32>,
        %get3A_436 = arith.index_cast %add3A_272 : i32 to index
        %get3A_437 = arith.constant 112 : index
        %get3A_438 = tpu.vector_load %arg17[%get3A_436, %get3A_437] {strides = array<i32>} : memref<96x128xf32, #tpu.memory_space<vmem>>, vector<1x16xf32>,
        %get3A_439 = vector.shape_cast %get3A_438 : vector<1x16xf32> to vector<16xf32>
        %get3A_440 = arith.index_cast %add3A_272 : i32 to index
        %get3A_441 = arith.constant 112 : index
        %get3A_442 = tpu.vector_load %arg19[%get3A_440, %get3A_441] {strides = array<i32>} : memref<96x128xf32, #tpu.memory_space<vmem>>, vector<1x16xf32>,
        %get3A_443 = vector.shape_cast %get3A_442 : vector<1x16xf32> to vector<16xf32>
        %add3A_444 = arith.addf %get3A_439, %get3A_443 : vector<16xf32>
        %exp3A_445 = math.exp %add3A_444 : vector<16xf32>
        %add3A_446 = arith.constant 1.000000e+00 : f32
        %add3A_447 = vector.broadcast %add3A_446 : f32 to vector<16xf32>
        %add3A_448 = arith.addf %exp3A_445, %add3A_447 : vector<16xf32>
        %div3A_449 = arith.constant 2.000000e+00 : f32
        %div3A_450 = vector.broadcast %div3A_449 : f32 to vector<16xf32>
        %div3A_451 = arith.divf %div3A_450, %add3A_448 : vector<16xf32>
        %sub3A_452 = arith.constant 1.000000e+00 : f32
        %sub3A_453 = vector.broadcast %sub3A_452 : f32 to vector<16xf32>
        %sub3A_454 = arith.subf %sub3A_453, %div3A_451 : vector<16xf32>
        %swap3A_455 = arith.index_cast %add3A_272 : i32 to index
        %swap3A_456 = arith.constant 112 : index
        %swap3A_457 = tpu.vector_load %arg17[%swap3A_455, %swap3A_456] {strides = array<i32>} : memref<96x128xf32, #tpu.memory_space<vmem>>, vector<1x16xf32>,
        %swap3A_458 = vector.shape_cast %swap3A_457 : vector<1x16xf32> to vector<16xf32>
        %swap3A_459 = vector.shape_cast %sub3A_454 : vector<16xf32> to vector<1x16xf32>
        tpu.vector_store %arg17[%swap3A_455, %swap3A_456], %swap3A_459 {strides = array<i32>} : memref<96x128xf32, #tpu.memory_space<vmem>>, vector<1x16xf32>,
      }
      %scan3A_201 = arith.constant 96 : i32
      %dma_start3A_202 = arith.constant 0 : i32
      %dma_start3A_203 = arith.constant 0 : i32
      %dma_start3A_204 = tpu.memref_slice %arg21[%dma_start3A_202, %dma_start3A_203] : memref<10112x128xf32, #tpu.memory_space<vmem_shared>> -> memref<10112x128xf32, #tpu.memory_space<vmem_shared>>
      tpu.enqueue_indirect_dma source(%arg17 : memref<96x128xf32, #tpu.memory_space<vmem>>) target(%dma_start3A_204 : memref<10112x128xf32, #tpu.memory_space<vmem_shared>>) offsets(%arg15 : memref<96xi32, #tpu.memory_space<vmem>>) semaphore(%arg26 : memref<!tpu.dma_semaphore, #tpu.memory_space<semaphore_mem>>) {add = true}
      %add3A_205 = arith.constant 2 : i32
      %add3A_206 = arith.addi %add3A_169, %add3A_205 : i32
      %mul3A_207 = arith.constant 96 : i32
      %mul3A_208 = arith.muli %add3A_206, %mul3A_207 : i32
      %add3A_209 = arith.addi %multiple_of3A_5, %mul3A_208 : i32
      %multiple_of3A_210 = tpu.assume_multiple %add3A_209, 8 : i32
      %dma_start3A_211 = tpu.memref_slice %arg2[%multiple_of3A_210] : memref<332032xi32, #tpu.memory_space<hbm>> -> memref<96xi32, #tpu.memory_space<hbm>>
      %dma_start3A_212 = tpu.memref_slice %arg2[%multiple_of3A_210] : memref<332032xi32, #tpu.memory_space<hbm>> -> memref<96xi32, #tpu.memory_space<hbm>>
      tpu.enqueue_dma source(%dma_start3A_212 : memref<96xi32, #tpu.memory_space<hbm>>) target(%arg9 : memref<96xi32, #tpu.memory_space<vmem>>) target_semaphore(%arg22 : memref<!tpu.dma_semaphore, #tpu.memory_space<semaphore_mem>>)
      %dma_start3A_213 = tpu.memref_slice %arg3[%multiple_of3A_210] : memref<332032xi32, #tpu.memory_space<hbm>> -> memref<96xi32, #tpu.memory_space<hbm>>
      %dma_start3A_214 = tpu.memref_slice %arg3[%multiple_of3A_210] : memref<332032xi32, #tpu.memory_space<hbm>> -> memref<96xi32, #tpu.memory_space<hbm>>
      tpu.enqueue_dma source(%dma_start3A_214 : memref<96xi32, #tpu.memory_space<hbm>>) target(%arg11 : memref<96xi32, #tpu.memory_space<vmem>>) target_semaphore(%arg22 : memref<!tpu.dma_semaphore, #tpu.memory_space<semaphore_mem>>)
      %dma_start3A_215 = tpu.memref_slice %arg4[%multiple_of3A_210] : memref<332032xi32, #tpu.memory_space<hbm>> -> memref<96xi32, #tpu.memory_space<hbm>>
      %dma_start3A_216 = tpu.memref_slice %arg4[%multiple_of3A_210] : memref<332032xi32, #tpu.memory_space<hbm>> -> memref<96xi32, #tpu.memory_space<hbm>>
      tpu.enqueue_dma source(%dma_start3A_216 : memref<96xi32, #tpu.memory_space<hbm>>) target(%arg13 : memref<96xi32, #tpu.memory_space<vmem>>) target_semaphore(%arg22 : memref<!tpu.dma_semaphore, #tpu.memory_space<semaphore_mem>>)
      %mul3A_217 = arith.constant 4 : i32
      %mul3A_218 = arith.muli %add3A_64, %mul3A_217 : i32
      %add3A_219 = arith.constant 3 : i32
      %add3A_220 = arith.addi %mul3A_218, %add3A_219 : i32
      %add3A_221 = arith.constant 1 : i32
      %add3A_222 = arith.addi %add3A_220, %add3A_221 : i32
      %mul3A_223 = arith.constant 96 : i32
      %mul3A_224 = arith.muli %add3A_222, %mul3A_223 : i32
      %add3A_225 = arith.addi %multiple_of3A_5, %mul3A_224 : i32
      %multiple_of3A_226 = tpu.assume_multiple %add3A_225, 8 : i32
      %dma_wait3A_227 = tpu.memref_slice %arg2[%multiple_of3A_226] : memref<332032xi32, #tpu.memory_space<hbm>> -> memref<96xi32, #tpu.memory_space<hbm>>
      %dma_wait3A_228 = tpu.memref_slice %arg2[%multiple_of3A_226] : memref<332032xi32, #tpu.memory_space<hbm>> -> memref<96xi32, #tpu.memory_space<hbm>>
      tpu.wait_dma2 semaphore(%arg22 : memref<!tpu.dma_semaphore, #tpu.memory_space<semaphore_mem>>) src(%dma_wait3A_228 : memref<96xi32, #tpu.memory_space<hbm>>) dst(%arg9 : memref<96xi32, #tpu.memory_space<vmem>>)
      %dma_wait3A_229 = tpu.memref_slice %arg3[%multiple_of3A_226] : memref<332032xi32, #tpu.memory_space<hbm>> -> memref<96xi32, #tpu.memory_space<hbm>>
      %dma_wait3A_230 = tpu.memref_slice %arg3[%multiple_of3A_226] : memref<332032xi32, #tpu.memory_space<hbm>> -> memref<96xi32, #tpu.memory_space<hbm>>
      tpu.wait_dma2 semaphore(%arg22 : memref<!tpu.dma_semaphore, #tpu.memory_space<semaphore_mem>>) src(%dma_wait3A_230 : memref<96xi32, #tpu.memory_space<hbm>>) dst(%arg11 : memref<96xi32, #tpu.memory_space<vmem>>)
      %dma_wait3A_231 = tpu.memref_slice %arg4[%multiple_of3A_226] : memref<332032xi32, #tpu.memory_space<hbm>> -> memref<96xi32, #tpu.memory_space<hbm>>
      %dma_wait3A_232 = tpu.memref_slice %arg4[%multiple_of3A_226] : memref<332032xi32, #tpu.memory_space<hbm>> -> memref<96xi32, #tpu.memory_space<hbm>>
      tpu.wait_dma2 semaphore(%arg22 : memref<!tpu.dma_semaphore, #tpu.memory_space<semaphore_mem>>) src(%dma_wait3A_232 : memref<96xi32, #tpu.memory_space<hbm>>) dst(%arg13 : memref<96xi32, #tpu.memory_space<vmem>>)
      %dma_wait3A_233 = arith.constant 0 : i32
      %dma_wait3A_234 = arith.constant 0 : i32
      %dma_wait3A_235 = tpu.memref_slice %arg21[%dma_wait3A_233, %dma_wait3A_234] : memref<10112x128xf32, #tpu.memory_space<vmem_shared>> -> memref<10112x128xf32, #tpu.memory_space<vmem_shared>>
      tpu.wait_indirect_dma semaphore(%arg26 : memref<!tpu.dma_semaphore, #tpu.memory_space<semaphore_mem>>) src(%arg17 : memref<96x128xf32, #tpu.memory_space<vmem>>) dst(%dma_wait3A_235 : memref<10112x128xf32, #tpu.memory_space<vmem_shared>>)
      %dma_start3A_236 = arith.constant 0 : i32
      %dma_start3A_237 = arith.constant 0 : i32
      %dma_start3A_238 = tpu.memref_slice %arg5[%dma_start3A_236, %dma_start3A_237] : memref<20000x128xf32, #tpu.memory_space<hbm>> -> memref<20000x128xf32, #tpu.memory_space<hbm>>
      tpu.enqueue_indirect_dma source(%dma_start3A_238 : memref<20000x128xf32, #tpu.memory_space<hbm>>) target(%arg17 : memref<96x128xf32, #tpu.memory_space<vmem>>) offsets(%arg9 : memref<96xi32, #tpu.memory_space<vmem>>) semaphore(%arg24 : memref<!tpu.dma_semaphore, #tpu.memory_space<semaphore_mem>>)
      %dma_start3A_239 = arith.constant 0 : i32
      %dma_start3A_240 = arith.constant 0 : i32
      %dma_start3A_241 = tpu.memref_slice %arg6[%dma_start3A_239, %dma_start3A_240] : memref<20000x128xf32, #tpu.memory_space<hbm>> -> memref<20000x128xf32, #tpu.memory_space<hbm>>
      tpu.enqueue_indirect_dma source(%dma_start3A_241 : memref<20000x128xf32, #tpu.memory_space<hbm>>) target(%arg19 : memref<96x128xf32, #tpu.memory_space<vmem>>) offsets(%arg11 : memref<96xi32, #tpu.memory_space<vmem>>) semaphore(%arg24 : memref<!tpu.dma_semaphore, #tpu.memory_space<semaphore_mem>>)
      %dma_wait3A_242 = arith.constant 0 : i32
      %dma_wait3A_243 = arith.constant 0 : i32
      %dma_wait3A_244 = tpu.memref_slice %arg5[%dma_wait3A_242, %dma_wait3A_243] : memref<20000x128xf32, #tpu.memory_space<hbm>> -> memref<20000x128xf32, #tpu.memory_space<hbm>>
      tpu.wait_indirect_dma semaphore(%arg25 : memref<!tpu.dma_semaphore, #tpu.memory_space<semaphore_mem>>) src(%dma_wait3A_244 : memref<20000x128xf32, #tpu.memory_space<hbm>>) dst(%arg18 : memref<96x128xf32, #tpu.memory_space<vmem>>)
      %dma_wait3A_245 = arith.constant 0 : i32
      %dma_wait3A_246 = arith.constant 0 : i32
      %dma_wait3A_247 = tpu.memref_slice %arg6[%dma_wait3A_245, %dma_wait3A_246] : memref<20000x128xf32, #tpu.memory_space<hbm>> -> memref<20000x128xf32, #tpu.memory_space<hbm>>
      tpu.wait_indirect_dma semaphore(%arg25 : memref<!tpu.dma_semaphore, #tpu.memory_space<semaphore_mem>>) src(%dma_wait3A_247 : memref<20000x128xf32, #tpu.memory_space<hbm>>) dst(%arg20 : memref<96x128xf32, #tpu.memory_space<vmem>>)
      %scan3A_248 = arith.constant 0 : i32
      %scan3A_249 = arith.constant 96 : i32
      %scan3A_250 = arith.addi %scan3A_248, %scan3A_249 : i32
      %scan3A_251 = arith.constant 1 : i32
      scf.for %scan3A_268 = %scan3A_248 to %scan3A_250 step %scan3A_251  : i32 {
        %mul3A_269 = arith.constant 1 : i32
        %mul3A_270 = arith.muli %scan3A_268, %mul3A_269 : i32
        %add3A_271 = arith.constant 0 : i32
        %add3A_272 = arith.addi %add3A_271, %mul3A_270 : i32
        %get3A = arith.index_cast %add3A_272 : i32 to index
        %get3A_273 = arith.constant 0 : index
        %get3A_274 = tpu.vector_load %arg18[%get3A, %get3A_273] {strides = array<i32>} : memref<96x128xf32, #tpu.memory_space<vmem>>, vector<1x16xf32>,
        %get3A_275 = vector.shape_cast %get3A_274 : vector<1x16xf32> to vector<16xf32>
        %get3A_276 = arith.index_cast %add3A_272 : i32 to index
        %get3A_277 = arith.constant 0 : index
        %get3A_278 = tpu.vector_load %arg20[%get3A_276, %get3A_277] {strides = array<i32>} : memref<96x128xf32, #tpu.memory_space<vmem>>, vector<1x16xf32>,
        %get3A_279 = vector.shape_cast %get3A_278 : vector<1x16xf32> to vector<16xf32>
        %add3A_280 = arith.addf %get3A_275, %get3A_279 : vector<16xf32>
        %exp3A = math.exp %add3A_280 : vector<16xf32>
        %add3A_281 = arith.constant 1.000000e+00 : f32
        %add3A_282 = vector.broadcast %add3A_281 : f32 to vector<16xf32>
        %add3A_283 = arith.addf %exp3A, %add3A_282 : vector<16xf32>
        %div3A = arith.constant 2.000000e+00 : f32
        %div3A_284 = vector.broadcast %div3A : f32 to vector<16xf32>
        %div3A_285 = arith.divf %div3A_284, %add3A_283 : vector<16xf32>
        %sub3A = arith.constant 1.000000e+00 : f32
        %sub3A_286 = vector.broadcast %sub3A : f32 to vector<16xf32>
        %sub3A_287 = arith.subf %sub3A_286, %div3A_285 : vector<16xf32>
        %swap3A = arith.index_cast %add3A_272 : i32 to index
        %swap3A_288 = arith.constant 0 : index
        %swap3A_289 = tpu.vector_load %arg18[%swap3A, %swap3A_288] {strides = array<i32>} : memref<96x128xf32, #tpu.memory_space<vmem>>, vector<1x16xf32>,
        %swap3A_290 = vector.shape_cast %swap3A_289 : vector<1x16xf32> to vector<16xf32>
        %swap3A_291 = vector.shape_cast %sub3A_287 : vector<16xf32> to vector<1x16xf32>
        tpu.vector_store %arg18[%swap3A, %swap3A_288], %swap3A_291 {strides = array<i32>} : memref<96x128xf32, #tpu.memory_space<vmem>>, vector<1x16xf32>,
        %get3A_292 = arith.index_cast %add3A_272 : i32 to index
        %get3A_293 = arith.constant 16 : index
        %get3A_294 = tpu.vector_load %arg18[%get3A_292, %get3A_293] {strides = array<i32>} : memref<96x128xf32, #tpu.memory_space<vmem>>, vector<1x16xf32>,
        %get3A_295 = vector.shape_cast %get3A_294 : vector<1x16xf32> to vector<16xf32>
        %get3A_296 = arith.index_cast %add3A_272 : i32 to index
        %get3A_297 = arith.constant 16 : index
        %get3A_298 = tpu.vector_load %arg20[%get3A_296, %get3A_297] {strides = array<i32>} : memref<96x128xf32, #tpu.memory_space<vmem>>, vector<1x16xf32>,
        %get3A_299 = vector.shape_cast %get3A_298 : vector<1x16xf32> to vector<16xf32>
        %add3A_300 = arith.addf %get3A_295, %get3A_299 : vector<16xf32>
        %exp3A_301 = math.exp %add3A_300 : vector<16xf32>
        %add3A_302 = arith.constant 1.000000e+00 : f32
        %add3A_303 = vector.broadcast %add3A_302 : f32 to vector<16xf32>
        %add3A_304 = arith.addf %exp3A_301, %add3A_303 : vector<16xf32>
        %div3A_305 = arith.constant 2.000000e+00 : f32
        %div3A_306 = vector.broadcast %div3A_305 : f32 to vector<16xf32>
        %div3A_307 = arith.divf %div3A_306, %add3A_304 : vector<16xf32>
        %sub3A_308 = arith.constant 1.000000e+00 : f32
        %sub3A_309 = vector.broadcast %sub3A_308 : f32 to vector<16xf32>
        %sub3A_310 = arith.subf %sub3A_309, %div3A_307 : vector<16xf32>
        %swap3A_311 = arith.index_cast %add3A_272 : i32 to index
        %swap3A_312 = arith.constant 16 : index
        %swap3A_313 = tpu.vector_load %arg18[%swap3A_311, %swap3A_312] {strides = array<i32>} : memref<96x128xf32, #tpu.memory_space<vmem>>, vector<1x16xf32>,
        %swap3A_314 = vector.shape_cast %swap3A_313 : vector<1x16xf32> to vector<16xf32>
        %swap3A_315 = vector.shape_cast %sub3A_310 : vector<16xf32> to vector<1x16xf32>
        tpu.vector_store %arg18[%swap3A_311, %swap3A_312], %swap3A_315 {strides = array<i32>} : memref<96x128xf32, #tpu.memory_space<vmem>>, vector<1x16xf32>,
        %get3A_316 = arith.index_cast %add3A_272 : i32 to index
        %get3A_317 = arith.constant 32 : index
        %get3A_318 = tpu.vector_load %arg18[%get3A_316, %get3A_317] {strides = array<i32>} : memref<96x128xf32, #tpu.memory_space<vmem>>, vector<1x16xf32>,
        %get3A_319 = vector.shape_cast %get3A_318 : vector<1x16xf32> to vector<16xf32>
        %get3A_320 = arith.index_cast %add3A_272 : i32 to index
        %get3A_321 = arith.constant 32 : index
        %get3A_322 = tpu.vector_load %arg20[%get3A_320, %get3A_321] {strides = array<i32>} : memref<96x128xf32, #tpu.memory_space<vmem>>, vector<1x16xf32>,
        %get3A_323 = vector.shape_cast %get3A_322 : vector<1x16xf32> to vector<16xf32>
        %add3A_324 = arith.addf %get3A_319, %get3A_323 : vector<16xf32>
        %exp3A_325 = math.exp %add3A_324 : vector<16xf32>
        %add3A_326 = arith.constant 1.000000e+00 : f32
        %add3A_327 = vector.broadcast %add3A_326 : f32 to vector<16xf32>
        %add3A_328 = arith.addf %exp3A_325, %add3A_327 : vector<16xf32>
        %div3A_329 = arith.constant 2.000000e+00 : f32
        %div3A_330 = vector.broadcast %div3A_329 : f32 to vector<16xf32>
        %div3A_331 = arith.divf %div3A_330, %add3A_328 : vector<16xf32>
        %sub3A_332 = arith.constant 1.000000e+00 : f32
        %sub3A_333 = vector.broadcast %sub3A_332 : f32 to vector<16xf32>
        %sub3A_334 = arith.subf %sub3A_333, %div3A_331 : vector<16xf32>
        %swap3A_335 = arith.index_cast %add3A_272 : i32 to index
        %swap3A_336 = arith.constant 32 : index
        %swap3A_337 = tpu.vector_load %arg18[%swap3A_335, %swap3A_336] {strides = array<i32>} : memref<96x128xf32, #tpu.memory_space<vmem>>, vector<1x16xf32>,
        %swap3A_338 = vector.shape_cast %swap3A_337 : vector<1x16xf32> to vector<16xf32>
        %swap3A_339 = vector.shape_cast %sub3A_334 : vector<16xf32> to vector<1x16xf32>
        tpu.vector_store %arg18[%swap3A_335, %swap3A_336], %swap3A_339 {strides = array<i32>} : memref<96x128xf32, #tpu.memory_space<vmem>>, vector<1x16xf32>,
        %get3A_340 = arith.index_cast %add3A_272 : i32 to index
        %get3A_341 = arith.constant 48 : index
        %get3A_342 = tpu.vector_load %arg18[%get3A_340, %get3A_341] {strides = array<i32>} : memref<96x128xf32, #tpu.memory_space<vmem>>, vector<1x16xf32>,
        %get3A_343 = vector.shape_cast %get3A_342 : vector<1x16xf32> to vector<16xf32>
        %get3A_344 = arith.index_cast %add3A_272 : i32 to index
        %get3A_345 = arith.constant 48 : index
        %get3A_346 = tpu.vector_load %arg20[%get3A_344, %get3A_345] {strides = array<i32>} : memref<96x128xf32, #tpu.memory_space<vmem>>, vector<1x16xf32>,
        %get3A_347 = vector.shape_cast %get3A_346 : vector<1x16xf32> to vector<16xf32>
        %add3A_348 = arith.addf %get3A_343, %get3A_347 : vector<16xf32>
        %exp3A_349 = math.exp %add3A_348 : vector<16xf32>
        %add3A_350 = arith.constant 1.000000e+00 : f32
        %add3A_351 = vector.broadcast %add3A_350 : f32 to vector<16xf32>
        %add3A_352 = arith.addf %exp3A_349, %add3A_351 : vector<16xf32>
        %div3A_353 = arith.constant 2.000000e+00 : f32
        %div3A_354 = vector.broadcast %div3A_353 : f32 to vector<16xf32>
        %div3A_355 = arith.divf %div3A_354, %add3A_352 : vector<16xf32>
        %sub3A_356 = arith.constant 1.000000e+00 : f32
        %sub3A_357 = vector.broadcast %sub3A_356 : f32 to vector<16xf32>
        %sub3A_358 = arith.subf %sub3A_357, %div3A_355 : vector<16xf32>
        %swap3A_359 = arith.index_cast %add3A_272 : i32 to index
        %swap3A_360 = arith.constant 48 : index
        %swap3A_361 = tpu.vector_load %arg18[%swap3A_359, %swap3A_360] {strides = array<i32>} : memref<96x128xf32, #tpu.memory_space<vmem>>, vector<1x16xf32>,
        %swap3A_362 = vector.shape_cast %swap3A_361 : vector<1x16xf32> to vector<16xf32>
        %swap3A_363 = vector.shape_cast %sub3A_358 : vector<16xf32> to vector<1x16xf32>
        tpu.vector_store %arg18[%swap3A_359, %swap3A_360], %swap3A_363 {strides = array<i32>} : memref<96x128xf32, #tpu.memory_space<vmem>>, vector<1x16xf32>,
        %get3A_364 = arith.index_cast %add3A_272 : i32 to index
        %get3A_365 = arith.constant 64 : index
        %get3A_366 = tpu.vector_load %arg18[%get3A_364, %get3A_365] {strides = array<i32>} : memref<96x128xf32, #tpu.memory_space<vmem>>, vector<1x16xf32>,
        %get3A_367 = vector.shape_cast %get3A_366 : vector<1x16xf32> to vector<16xf32>
        %get3A_368 = arith.index_cast %add3A_272 : i32 to index
        %get3A_369 = arith.constant 64 : index
        %get3A_370 = tpu.vector_load %arg20[%get3A_368, %get3A_369] {strides = array<i32>} : memref<96x128xf32, #tpu.memory_space<vmem>>, vector<1x16xf32>,
        %get3A_371 = vector.shape_cast %get3A_370 : vector<1x16xf32> to vector<16xf32>
        %add3A_372 = arith.addf %get3A_367, %get3A_371 : vector<16xf32>
        %exp3A_373 = math.exp %add3A_372 : vector<16xf32>
        %add3A_374 = arith.constant 1.000000e+00 : f32
        %add3A_375 = vector.broadcast %add3A_374 : f32 to vector<16xf32>
        %add3A_376 = arith.addf %exp3A_373, %add3A_375 : vector<16xf32>
        %div3A_377 = arith.constant 2.000000e+00 : f32
        %div3A_378 = vector.broadcast %div3A_377 : f32 to vector<16xf32>
        %div3A_379 = arith.divf %div3A_378, %add3A_376 : vector<16xf32>
        %sub3A_380 = arith.constant 1.000000e+00 : f32
        %sub3A_381 = vector.broadcast %sub3A_380 : f32 to vector<16xf32>
        %sub3A_382 = arith.subf %sub3A_381, %div3A_379 : vector<16xf32>
        %swap3A_383 = arith.index_cast %add3A_272 : i32 to index
        %swap3A_384 = arith.constant 64 : index
        %swap3A_385 = tpu.vector_load %arg18[%swap3A_383, %swap3A_384] {strides = array<i32>} : memref<96x128xf32, #tpu.memory_space<vmem>>, vector<1x16xf32>,
        %swap3A_386 = vector.shape_cast %swap3A_385 : vector<1x16xf32> to vector<16xf32>
        %swap3A_387 = vector.shape_cast %sub3A_382 : vector<16xf32> to vector<1x16xf32>
        tpu.vector_store %arg18[%swap3A_383, %swap3A_384], %swap3A_387 {strides = array<i32>} : memref<96x128xf32, #tpu.memory_space<vmem>>, vector<1x16xf32>,
        %get3A_388 = arith.index_cast %add3A_272 : i32 to index
        %get3A_389 = arith.constant 80 : index
        %get3A_390 = tpu.vector_load %arg18[%get3A_388, %get3A_389] {strides = array<i32>} : memref<96x128xf32, #tpu.memory_space<vmem>>, vector<1x16xf32>,
        %get3A_391 = vector.shape_cast %get3A_390 : vector<1x16xf32> to vector<16xf32>
        %get3A_392 = arith.index_cast %add3A_272 : i32 to index
        %get3A_393 = arith.constant 80 : index
        %get3A_394 = tpu.vector_load %arg20[%get3A_392, %get3A_393] {strides = array<i32>} : memref<96x128xf32, #tpu.memory_space<vmem>>, vector<1x16xf32>,
        %get3A_395 = vector.shape_cast %get3A_394 : vector<1x16xf32> to vector<16xf32>
        %add3A_396 = arith.addf %get3A_391, %get3A_395 : vector<16xf32>
        %exp3A_397 = math.exp %add3A_396 : vector<16xf32>
        %add3A_398 = arith.constant 1.000000e+00 : f32
        %add3A_399 = vector.broadcast %add3A_398 : f32 to vector<16xf32>
        %add3A_400 = arith.addf %exp3A_397, %add3A_399 : vector<16xf32>
        %div3A_401 = arith.constant 2.000000e+00 : f32
        %div3A_402 = vector.broadcast %div3A_401 : f32 to vector<16xf32>
        %div3A_403 = arith.divf %div3A_402, %add3A_400 : vector<16xf32>
        %sub3A_404 = arith.constant 1.000000e+00 : f32
        %sub3A_405 = vector.broadcast %sub3A_404 : f32 to vector<16xf32>
        %sub3A_406 = arith.subf %sub3A_405, %div3A_403 : vector<16xf32>
        %swap3A_407 = arith.index_cast %add3A_272 : i32 to index
        %swap3A_408 = arith.constant 80 : index
        %swap3A_409 = tpu.vector_load %arg18[%swap3A_407, %swap3A_408] {strides = array<i32>} : memref<96x128xf32, #tpu.memory_space<vmem>>, vector<1x16xf32>,
        %swap3A_410 = vector.shape_cast %swap3A_409 : vector<1x16xf32> to vector<16xf32>
        %swap3A_411 = vector.shape_cast %sub3A_406 : vector<16xf32> to vector<1x16xf32>
        tpu.vector_store %arg18[%swap3A_407, %swap3A_408], %swap3A_411 {strides = array<i32>} : memref<96x128xf32, #tpu.memory_space<vmem>>, vector<1x16xf32>,
        %get3A_412 = arith.index_cast %add3A_272 : i32 to index
        %get3A_413 = arith.constant 96 : index
        %get3A_414 = tpu.vector_load %arg18[%get3A_412, %get3A_413] {strides = array<i32>} : memref<96x128xf32, #tpu.memory_space<vmem>>, vector<1x16xf32>,
        %get3A_415 = vector.shape_cast %get3A_414 : vector<1x16xf32> to vector<16xf32>
        %get3A_416 = arith.index_cast %add3A_272 : i32 to index
        %get3A_417 = arith.constant 96 : index
        %get3A_418 = tpu.vector_load %arg20[%get3A_416, %get3A_417] {strides = array<i32>} : memref<96x128xf32, #tpu.memory_space<vmem>>, vector<1x16xf32>,
        %get3A_419 = vector.shape_cast %get3A_418 : vector<1x16xf32> to vector<16xf32>
        %add3A_420 = arith.addf %get3A_415, %get3A_419 : vector<16xf32>
        %exp3A_421 = math.exp %add3A_420 : vector<16xf32>
        %add3A_422 = arith.constant 1.000000e+00 : f32
        %add3A_423 = vector.broadcast %add3A_422 : f32 to vector<16xf32>
        %add3A_424 = arith.addf %exp3A_421, %add3A_423 : vector<16xf32>
        %div3A_425 = arith.constant 2.000000e+00 : f32
        %div3A_426 = vector.broadcast %div3A_425 : f32 to vector<16xf32>
        %div3A_427 = arith.divf %div3A_426, %add3A_424 : vector<16xf32>
        %sub3A_428 = arith.constant 1.000000e+00 : f32
        %sub3A_429 = vector.broadcast %sub3A_428 : f32 to vector<16xf32>
        %sub3A_430 = arith.subf %sub3A_429, %div3A_427 : vector<16xf32>
        %swap3A_431 = arith.index_cast %add3A_272 : i32 to index
        %swap3A_432 = arith.constant 96 : index
        %swap3A_433 = tpu.vector_load %arg18[%swap3A_431, %swap3A_432] {strides = array<i32>} : memref<96x128xf32, #tpu.memory_space<vmem>>, vector<1x16xf32>,
        %swap3A_434 = vector.shape_cast %swap3A_433 : vector<1x16xf32> to vector<16xf32>
        %swap3A_435 = vector.shape_cast %sub3A_430 : vector<16xf32> to vector<1x16xf32>
        tpu.vector_store %arg18[%swap3A_431, %swap3A_432], %swap3A_435 {strides = array<i32>} : memref<96x128xf32, #tpu.memory_space<vmem>>, vector<1x16xf32>,
        %get3A_436 = arith.index_cast %add3A_272 : i32 to index
        %get3A_437 = arith.constant 112 : index
        %get3A_438 = tpu.vector_load %arg18[%get3A_436, %get3A_437] {strides = array<i32>} : memref<96x128xf32, #tpu.memory_space<vmem>>, vector<1x16xf32>,
        %get3A_439 = vector.shape_cast %get3A_438 : vector<1x16xf32> to vector<16xf32>
        %get3A_440 = arith.index_cast %add3A_272 : i32 to index
        %get3A_441 = arith.constant 112 : index
        %get3A_442 = tpu.vector_load %arg20[%get3A_440, %get3A_441] {strides = array<i32>} : memref<96x128xf32, #tpu.memory_space<vmem>>, vector<1x16xf32>,
        %get3A_443 = vector.shape_cast %get3A_442 : vector<1x16xf32> to vector<16xf32>
        %add3A_444 = arith.addf %get3A_439, %get3A_443 : vector<16xf32>
        %exp3A_445 = math.exp %add3A_444 : vector<16xf32>
        %add3A_446 = arith.constant 1.000000e+00 : f32
        %add3A_447 = vector.broadcast %add3A_446 : f32 to vector<16xf32>
        %add3A_448 = arith.addf %exp3A_445, %add3A_447 : vector<16xf32>
        %div3A_449 = arith.constant 2.000000e+00 : f32
        %div3A_450 = vector.broadcast %div3A_449 : f32 to vector<16xf32>
        %div3A_451 = arith.divf %div3A_450, %add3A_448 : vector<16xf32>
        %sub3A_452 = arith.constant 1.000000e+00 : f32
        %sub3A_453 = vector.broadcast %sub3A_452 : f32 to vector<16xf32>
        %sub3A_454 = arith.subf %sub3A_453, %div3A_451 : vector<16xf32>
        %swap3A_455 = arith.index_cast %add3A_272 : i32 to index
        %swap3A_456 = arith.constant 112 : index
        %swap3A_457 = tpu.vector_load %arg18[%swap3A_455, %swap3A_456] {strides = array<i32>} : memref<96x128xf32, #tpu.memory_space<vmem>>, vector<1x16xf32>,
        %swap3A_458 = vector.shape_cast %swap3A_457 : vector<1x16xf32> to vector<16xf32>
        %swap3A_459 = vector.shape_cast %sub3A_454 : vector<16xf32> to vector<1x16xf32>
        tpu.vector_store %arg18[%swap3A_455, %swap3A_456], %swap3A_459 {strides = array<i32>} : memref<96x128xf32, #tpu.memory_space<vmem>>, vector<1x16xf32>,
      }
      %scan3A_252 = arith.constant 96 : i32
      %dma_start3A_253 = arith.constant 0 : i32
      %dma_start3A_254 = arith.constant 0 : i32
      %dma_start3A_255 = tpu.memref_slice %arg21[%dma_start3A_253, %dma_start3A_254] : memref<10112x128xf32, #tpu.memory_space<vmem_shared>> -> memref<10112x128xf32, #tpu.memory_space<vmem_shared>>
      tpu.enqueue_indirect_dma source(%arg18 : memref<96x128xf32, #tpu.memory_space<vmem>>) target(%dma_start3A_255 : memref<10112x128xf32, #tpu.memory_space<vmem_shared>>) offsets(%arg16 : memref<96xi32, #tpu.memory_space<vmem>>) semaphore(%arg27 : memref<!tpu.dma_semaphore, #tpu.memory_space<semaphore_mem>>) {add = true}
      %add3A_256 = arith.constant 2 : i32
      %add3A_257 = arith.addi %add3A_220, %add3A_256 : i32
      %mul3A_258 = arith.constant 96 : i32
      %mul3A_259 = arith.muli %add3A_257, %mul3A_258 : i32
      %add3A_260 = arith.addi %multiple_of3A_5, %mul3A_259 : i32
      %multiple_of3A_261 = tpu.assume_multiple %add3A_260, 8 : i32
      %dma_start3A_262 = tpu.memref_slice %arg2[%multiple_of3A_261] : memref<332032xi32, #tpu.memory_space<hbm>> -> memref<96xi32, #tpu.memory_space<hbm>>
      %dma_start3A_263 = tpu.memref_slice %arg2[%multiple_of3A_261] : memref<332032xi32, #tpu.memory_space<hbm>> -> memref<96xi32, #tpu.memory_space<hbm>>
      tpu.enqueue_dma source(%dma_start3A_263 : memref<96xi32, #tpu.memory_space<hbm>>) target(%arg10 : memref<96xi32, #tpu.memory_space<vmem>>) target_semaphore(%arg23 : memref<!tpu.dma_semaphore, #tpu.memory_space<semaphore_mem>>)
      %dma_start3A_264 = tpu.memref_slice %arg3[%multiple_of3A_261] : memref<332032xi32, #tpu.memory_space<hbm>> -> memref<96xi32, #tpu.memory_space<hbm>>
      %dma_start3A_265 = tpu.memref_slice %arg3[%multiple_of3A_261] : memref<332032xi32, #tpu.memory_space<hbm>> -> memref<96xi32, #tpu.memory_space<hbm>>
      tpu.enqueue_dma source(%dma_start3A_265 : memref<96xi32, #tpu.memory_space<hbm>>) target(%arg12 : memref<96xi32, #tpu.memory_space<vmem>>) target_semaphore(%arg23 : memref<!tpu.dma_semaphore, #tpu.memory_space<semaphore_mem>>)
      %dma_start3A_266 = tpu.memref_slice %arg4[%multiple_of3A_261] : memref<332032xi32, #tpu.memory_space<hbm>> -> memref<96xi32, #tpu.memory_space<hbm>>
      %dma_start3A_267 = tpu.memref_slice %arg4[%multiple_of3A_261] : memref<332032xi32, #tpu.memory_space<hbm>> -> memref<96xi32, #tpu.memory_space<hbm>>
      tpu.enqueue_dma source(%dma_start3A_267 : memref<96xi32, #tpu.memory_space<hbm>>) target(%arg14 : memref<96xi32, #tpu.memory_space<vmem>>) target_semaphore(%arg23 : memref<!tpu.dma_semaphore, #tpu.memory_space<semaphore_mem>>)
    }
    %scan3A_40 = arith.constant 27 : i32
    %dma_wait3A_41 = arith.constant 0 : i32
    %dma_wait3A_42 = arith.constant 0 : i32
    %dma_wait3A_43 = tpu.memref_slice %arg5[%dma_wait3A_41, %dma_wait3A_42] : memref<20000x128xf32, #tpu.memory_space<hbm>> -> memref<20000x128xf32, #tpu.memory_space<hbm>>
    tpu.wait_indirect_dma semaphore(%arg24 : memref<!tpu.dma_semaphore, #tpu.memory_space<semaphore_mem>>) src(%dma_wait3A_43 : memref<20000x128xf32, #tpu.memory_space<hbm>>) dst(%arg17 : memref<96x128xf32, #tpu.memory_space<vmem>>)
    %dma_wait3A_44 = arith.constant 0 : i32
    %dma_wait3A_45 = arith.constant 0 : i32
    %dma_wait3A_46 = tpu.memref_slice %arg6[%dma_wait3A_44, %dma_wait3A_45] : memref<20000x128xf32, #tpu.memory_space<hbm>> -> memref<20000x128xf32, #tpu.memory_space<hbm>>
    tpu.wait_indirect_dma semaphore(%arg24 : memref<!tpu.dma_semaphore, #tpu.memory_space<semaphore_mem>>) src(%dma_wait3A_46 : memref<20000x128xf32, #tpu.memory_space<hbm>>) dst(%arg19 : memref<96x128xf32, #tpu.memory_space<vmem>>)
    %dma_wait3A_47 = arith.constant 0 : i32
    %dma_wait3A_48 = arith.constant 0 : i32
    %dma_wait3A_49 = tpu.memref_slice %arg21[%dma_wait3A_47, %dma_wait3A_48] : memref<10112x128xf32, #tpu.memory_space<vmem_shared>> -> memref<10112x128xf32, #tpu.memory_space<vmem_shared>>
    tpu.wait_indirect_dma semaphore(%arg27 : memref<!tpu.dma_semaphore, #tpu.memory_space<semaphore_mem>>) src(%arg18 : memref<96x128xf32, #tpu.memory_space<vmem>>) dst(%dma_wait3A_49 : memref<10112x128xf32, #tpu.memory_space<vmem_shared>>)
    %add3A_50 = arith.constant 10464 : i32
    %add3A_51 = arith.addi %multiple_of3A_5, %add3A_50 : i32
    %multiple_of3A_52 = tpu.assume_multiple %add3A_51, 8 : i32
    %dma_wait3A_53 = tpu.memref_slice %arg2[%multiple_of3A_52] : memref<332032xi32, #tpu.memory_space<hbm>> -> memref<96xi32, #tpu.memory_space<hbm>>
    %dma_wait3A_54 = tpu.memref_slice %arg2[%multiple_of3A_52] : memref<332032xi32, #tpu.memory_space<hbm>> -> memref<96xi32, #tpu.memory_space<hbm>>
    tpu.wait_dma2 semaphore(%arg23 : memref<!tpu.dma_semaphore, #tpu.memory_space<semaphore_mem>>) src(%dma_wait3A_54 : memref<96xi32, #tpu.memory_space<hbm>>) dst(%arg10 : memref<96xi32, #tpu.memory_space<vmem>>)
    %dma_wait3A_55 = tpu.memref_slice %arg3[%multiple_of3A_52] : memref<332032xi32, #tpu.memory_space<hbm>> -> memref<96xi32, #tpu.memory_space<hbm>>
    %dma_wait3A_56 = tpu.memref_slice %arg3[%multiple_of3A_52] : memref<332032xi32, #tpu.memory_space<hbm>> -> memref<96xi32, #tpu.memory_space<hbm>>
    tpu.wait_dma2 semaphore(%arg23 : memref<!tpu.dma_semaphore, #tpu.memory_space<semaphore_mem>>) src(%dma_wait3A_56 : memref<96xi32, #tpu.memory_space<hbm>>) dst(%arg12 : memref<96xi32, #tpu.memory_space<vmem>>)
    %dma_wait3A_57 = tpu.memref_slice %arg4[%multiple_of3A_52] : memref<332032xi32, #tpu.memory_space<hbm>> -> memref<96xi32, #tpu.memory_space<hbm>>
    %dma_wait3A_58 = tpu.memref_slice %arg4[%multiple_of3A_52] : memref<332032xi32, #tpu.memory_space<hbm>> -> memref<96xi32, #tpu.memory_space<hbm>>
    tpu.wait_dma2 semaphore(%arg23 : memref<!tpu.dma_semaphore, #tpu.memory_space<semaphore_mem>>) src(%dma_wait3A_58 : memref<96xi32, #tpu.memory_space<hbm>>) dst(%arg14 : memref<96xi32, #tpu.memory_space<vmem>>)
    %barrier3A_59 = arith.constant 0 : index
    tpu.barrier barrier_id(%barrier3A_59)
    "tpu.region"() ({
      %run_scoped3A = tpu.sem_alloc : memref<!tpu.dma_semaphore, #tpu.memory_space<semaphore_mem>>
      %dma_start3A_60 = arith.constant 0 : i32
      %dma_start3A_61 = tpu.memref_slice %arg8[%arg0, %multiple_of3A, %dma_start3A_60] : memref<2x10112x128xf32, #tpu.memory_space<hbm>> -> memref<1x632x128xf32, #tpu.memory_space<hbm>>
      %dma_start3A_62 = tpu.memref_squeeze %dma_start3A_61 : memref<1x632x128xf32, #tpu.memory_space<hbm>> -> memref<632x128xf32, #tpu.memory_space<hbm>>
      %dma_start3A_63 = arith.constant 0 : i32
      %dma_start3A_64 = tpu.memref_slice %arg21[%multiple_of3A, %dma_start3A_63] : memref<10112x128xf32, #tpu.memory_space<vmem_shared>> -> memref<632x128xf32, #tpu.memory_space<vmem_shared>>
      tpu.enqueue_dma source(%dma_start3A_64 : memref<632x128xf32, #tpu.memory_space<vmem_shared>>) target(%dma_start3A_62 : memref<632x128xf32, #tpu.memory_space<hbm>>) target_semaphore(%run_scoped3A : memref<!tpu.dma_semaphore, #tpu.memory_space<semaphore_mem>>)
      %dma_wait3A_65 = arith.constant 0 : i32
      %dma_wait3A_66 = tpu.memref_slice %arg8[%arg0, %multiple_of3A, %dma_wait3A_65] : memref<2x10112x128xf32, #tpu.memory_space<hbm>> -> memref<1x632x128xf32, #tpu.memory_space<hbm>>
      %dma_wait3A_67 = tpu.memref_squeeze %dma_wait3A_66 : memref<1x632x128xf32, #tpu.memory_space<hbm>> -> memref<632x128xf32, #tpu.memory_space<hbm>>
      %dma_wait3A_68 = arith.constant 0 : i32
      %dma_wait3A_69 = tpu.memref_slice %arg21[%multiple_of3A, %dma_wait3A_68] : memref<10112x128xf32, #tpu.memory_space<vmem_shared>> -> memref<632x128xf32, #tpu.memory_space<vmem_shared>>
      tpu.wait_dma2 semaphore(%run_scoped3A : memref<!tpu.dma_semaphore, #tpu.memory_space<semaphore_mem>>) src(%dma_wait3A_69 : memref<632x128xf32, #tpu.memory_space<vmem_shared>>) dst(%dma_wait3A_67 : memref<632x128xf32, #tpu.memory_space<hbm>>)
      tpu.yield
    }) : () -> ()
    return
  }
}

module attributes {stable_mosaic.version = 14 : i64} {
  func.func @_idx_body(%arg0: memref<2500x128xi32, #tpu.memory_space<vmem>>, %arg1: memref<2500x128xi32, #tpu.memory_space<vmem>>, %arg2: memref<2594x128xi32, #tpu.memory_space<vmem>>, %arg3: memref<2594x128xi32, #tpu.memory_space<vmem>>, %arg4: memref<2594x128xi32, #tpu.memory_space<vmem>>) attributes {dimension_semantics = [], scalar_prefetch = 0 : i64, scratch_operands = 0 : i64, tpu.core_type = #tpu.core_type<tc>} {
    %get3A = arith.constant 0 : index
    %get3A_0 = arith.constant 0 : index
    %get3A_1 = vector.load %arg0[%get3A, %get3A_0] : memref<2500x128xi32, #tpu.memory_space<vmem>>, vector<2500x128xi32>
    %get3A_2 = arith.constant 0 : index
    %get3A_3 = arith.constant 0 : index
    %get3A_4 = vector.load %arg1[%get3A_2, %get3A_3] : memref<2500x128xi32, #tpu.memory_space<vmem>>, vector<2500x128xi32>
    %iota3A = tpu.iota {dimensions = array<i32: 1>} : vector<94x128xi32>
    %iota3A_5 = tpu.iota {dimensions = array<i32: 0>} : vector<94x128xi32>
    %mul3A = arith.constant 128 : i32
    %mul3A_6 = vector.broadcast %mul3A : i32 to vector<94x128xi32>
    %mul3A_7 = arith.muli %iota3A_5, %mul3A_6 : vector<94x128xi32>
    %add3A = arith.addi %iota3A, %mul3A_7 : vector<94x128xi32>
    %ge3A = arith.constant 5000 : i32
    %ge3A_8 = vector.broadcast %ge3A : i32 to vector<2500x128xi32>
    %ge3A_9 = arith.cmpi sge, %get3A_4, %ge3A_8 : vector<2500x128xi32>
    %jit3A = arith.constant 10000 : i32
    %jit3A_10 = arith.constant 0 : i32
    %broadcast_in_dim3A = vector.broadcast %jit3A : i32 to vector<2500x128xi32>
    %broadcast_in_dim3A_11 = vector.broadcast %jit3A_10 : i32 to vector<2500x128xi32>
    %select_n3A = arith.select %ge3A_9, %broadcast_in_dim3A, %broadcast_in_dim3A_11 : vector<2500x128xi1>, vector<2500x128xi32>
    %add3A_12 = arith.addi %get3A_1, %select_n3A : vector<2500x128xi32>
    %jit3A_13 = arith.constant 20000 : i32
    %eq3A = arith.constant 0 : i32
    %eq3A_14 = arith.cmpi eq, %jit3A_13, %eq3A : i32
    %jit3A_15 = arith.constant 1 : i32
    %select_n3A_16 = arith.select %eq3A_14, %jit3A_15, %jit3A_13 : i32
    %rem3A = vector.broadcast %select_n3A_16 : i32 to vector<94x128xi32>
    %rem3A_17 = arith.remsi %add3A, %rem3A : vector<94x128xi32>
    %ne3A = arith.constant 0 : i32
    %ne3A_18 = vector.broadcast %ne3A : i32 to vector<94x128xi32>
    %ne3A_19 = arith.cmpi ne, %rem3A_17, %ne3A_18 : vector<94x128xi32>
    %lt3A = arith.constant 0 : i32
    %lt3A_20 = vector.broadcast %lt3A : i32 to vector<94x128xi32>
    %lt3A_21 = arith.cmpi slt, %rem3A_17, %lt3A_20 : vector<94x128xi32>
    %lt3A_22 = arith.constant 0 : i32
    %lt3A_23 = arith.cmpi slt, %select_n3A_16, %lt3A_22 : i32
    %ne3A_24 = vector.broadcast %lt3A_23 : i1 to vector<94x128xi1>
    %ne3A_25 = vector.broadcast %ne3A_24 : vector<94x128xi1> to vector<94x128xi1>
    %ne3A_26 = arith.xori %lt3A_21, %ne3A_25 : vector<94x128xi1>
    %and3A = arith.andi %ne3A_26, %ne3A_19 : vector<94x128xi1>
    %add3A_27 = vector.broadcast %select_n3A_16 : i32 to vector<94x128xi32>
    %add3A_28 = arith.addi %rem3A_17, %add3A_27 : vector<94x128xi32>
    %select_n3A_29 = arith.select %and3A, %add3A_28, %rem3A_17 : vector<94x128xi1>, vector<94x128xi32>
    %concatenate3A = tpu.concatenate %add3A_12, %select_n3A_29 in 0 : vector<2500x128xi32>, vector<94x128xi32> -> vector<2594x128xi32>
    %swap3A = arith.constant 0 : index
    %swap3A_30 = arith.constant 0 : index
    %swap3A_31 = vector.load %arg2[%swap3A, %swap3A_30] : memref<2594x128xi32, #tpu.memory_space<vmem>>, vector<2594x128xi32>
    tpu.vector_store %arg2[%swap3A, %swap3A_30], %concatenate3A {strides = array<i32>} : memref<2594x128xi32, #tpu.memory_space<vmem>>, vector<2594x128xi32>,
    %ge3A_32 = arith.constant 5000 : i32
    %ge3A_33 = vector.broadcast %ge3A_32 : i32 to vector<2500x128xi32>
    %ge3A_34 = arith.cmpi sge, %get3A_1, %ge3A_33 : vector<2500x128xi32>
    %jit3A_35 = arith.constant 10000 : i32
    %jit3A_36 = arith.constant 0 : i32
    %broadcast_in_dim3A_37 = vector.broadcast %jit3A_35 : i32 to vector<2500x128xi32>
    %broadcast_in_dim3A_38 = vector.broadcast %jit3A_36 : i32 to vector<2500x128xi32>
    %select_n3A_39 = arith.select %ge3A_34, %broadcast_in_dim3A_37, %broadcast_in_dim3A_38 : vector<2500x128xi1>, vector<2500x128xi32>
    %add3A_40 = arith.addi %get3A_4, %select_n3A_39 : vector<2500x128xi32>
    %jit3A_41 = arith.constant 20000 : i32
    %eq3A_42 = arith.constant 0 : i32
    %eq3A_43 = arith.cmpi eq, %jit3A_41, %eq3A_42 : i32
    %jit3A_44 = arith.constant 1 : i32
    %select_n3A_45 = arith.select %eq3A_43, %jit3A_44, %jit3A_41 : i32
    %rem3A_46 = vector.broadcast %select_n3A_45 : i32 to vector<94x128xi32>
    %rem3A_47 = arith.remsi %add3A, %rem3A_46 : vector<94x128xi32>
    %ne3A_48 = arith.constant 0 : i32
    %ne3A_49 = vector.broadcast %ne3A_48 : i32 to vector<94x128xi32>
    %ne3A_50 = arith.cmpi ne, %rem3A_47, %ne3A_49 : vector<94x128xi32>
    %lt3A_51 = arith.constant 0 : i32
    %lt3A_52 = vector.broadcast %lt3A_51 : i32 to vector<94x128xi32>
    %lt3A_53 = arith.cmpi slt, %rem3A_47, %lt3A_52 : vector<94x128xi32>
    %lt3A_54 = arith.constant 0 : i32
    %lt3A_55 = arith.cmpi slt, %select_n3A_45, %lt3A_54 : i32
    %ne3A_56 = vector.broadcast %lt3A_55 : i1 to vector<94x128xi1>
    %ne3A_57 = vector.broadcast %ne3A_56 : vector<94x128xi1> to vector<94x128xi1>
    %ne3A_58 = arith.xori %lt3A_53, %ne3A_57 : vector<94x128xi1>
    %and3A_59 = arith.andi %ne3A_58, %ne3A_50 : vector<94x128xi1>
    %add3A_60 = vector.broadcast %select_n3A_45 : i32 to vector<94x128xi32>
    %add3A_61 = arith.addi %rem3A_47, %add3A_60 : vector<94x128xi32>
    %select_n3A_62 = arith.select %and3A_59, %add3A_61, %rem3A_47 : vector<94x128xi1>, vector<94x128xi32>
    %concatenate3A_63 = tpu.concatenate %add3A_40, %select_n3A_62 in 0 : vector<2500x128xi32>, vector<94x128xi32> -> vector<2594x128xi32>
    %swap3A_64 = arith.constant 0 : index
    %swap3A_65 = arith.constant 0 : index
    %swap3A_66 = vector.load %arg3[%swap3A_64, %swap3A_65] : memref<2594x128xi32, #tpu.memory_space<vmem>>, vector<2594x128xi32>
    tpu.vector_store %arg3[%swap3A_64, %swap3A_65], %concatenate3A_63 {strides = array<i32>} : memref<2594x128xi32, #tpu.memory_space<vmem>>, vector<2594x128xi32>,
    %jit3A_67 = arith.constant 112 : i32
    %eq3A_68 = arith.constant 0 : i32
    %eq3A_69 = arith.cmpi eq, %jit3A_67, %eq3A_68 : i32
    %jit3A_70 = arith.constant 1 : i32
    %select_n3A_71 = arith.select %eq3A_69, %jit3A_70, %jit3A_67 : i32
    %rem3A_72 = vector.broadcast %select_n3A_71 : i32 to vector<94x128xi32>
    %rem3A_73 = arith.remsi %add3A, %rem3A_72 : vector<94x128xi32>
    %ne3A_74 = arith.constant 0 : i32
    %ne3A_75 = vector.broadcast %ne3A_74 : i32 to vector<94x128xi32>
    %ne3A_76 = arith.cmpi ne, %rem3A_73, %ne3A_75 : vector<94x128xi32>
    %lt3A_77 = arith.constant 0 : i32
    %lt3A_78 = vector.broadcast %lt3A_77 : i32 to vector<94x128xi32>
    %lt3A_79 = arith.cmpi slt, %rem3A_73, %lt3A_78 : vector<94x128xi32>
    %lt3A_80 = arith.constant 0 : i32
    %lt3A_81 = arith.cmpi slt, %select_n3A_71, %lt3A_80 : i32
    %ne3A_82 = vector.broadcast %lt3A_81 : i1 to vector<94x128xi1>
    %ne3A_83 = vector.broadcast %ne3A_82 : vector<94x128xi1> to vector<94x128xi1>
    %ne3A_84 = arith.xori %lt3A_79, %ne3A_83 : vector<94x128xi1>
    %and3A_85 = arith.andi %ne3A_84, %ne3A_76 : vector<94x128xi1>
    %add3A_86 = vector.broadcast %select_n3A_71 : i32 to vector<94x128xi32>
    %add3A_87 = arith.addi %rem3A_73, %add3A_86 : vector<94x128xi32>
    %select_n3A_88 = arith.select %and3A_85, %add3A_87, %rem3A_73 : vector<94x128xi1>, vector<94x128xi32>
    %add3A_89 = arith.constant 10000 : i32
    %add3A_90 = vector.broadcast %add3A_89 : i32 to vector<94x128xi32>
    %add3A_91 = arith.addi %add3A_90, %select_n3A_88 : vector<94x128xi32>
    %concatenate3A_92 = tpu.concatenate %get3A_4, %add3A_91 in 0 : vector<2500x128xi32>, vector<94x128xi32> -> vector<2594x128xi32>
    %swap3A_93 = arith.constant 0 : index
    %swap3A_94 = arith.constant 0 : index
    %swap3A_95 = vector.load %arg4[%swap3A_93, %swap3A_94] : memref<2594x128xi32, #tpu.memory_space<vmem>>, vector<2594x128xi32>
    tpu.vector_store %arg4[%swap3A_93, %swap3A_94], %concatenate3A_92 {strides = array<i32>} : memref<2594x128xi32, #tpu.memory_space<vmem>>, vector<2594x128xi32>,
    return
  }
}

module attributes {stable_mosaic.version = 14 : i64} {
  func.func @_tables_body(%arg0: i32, %arg1: memref<5000x128xf32, #tpu.memory_space<vmem>>, %arg2: memref<1x128x128xf32, #tpu.memory_space<vmem>>, %arg3: memref<1x1x128xf32, #tpu.memory_space<vmem>>, %arg4: memref<1x128x128xf32, #tpu.memory_space<vmem>>, %arg5: memref<1x128x128xf32, #tpu.memory_space<vmem>>, %arg6: memref<1x1x128xf32, #tpu.memory_space<vmem>>, %arg7: memref<5000x128xf32, #tpu.memory_space<vmem>>, %arg8: memref<5000x128xf32, #tpu.memory_space<vmem>>) attributes {dimension_semantics = [#tpu.dimension_semantics<arbitrary>], iteration_bounds = array<i64: 4>, scalar_prefetch = 0 : i64, scratch_operands = 0 : i64, tpu.core_type = #tpu.core_type<tc>, window_params = [{transform_indices = @transform_0, window_bounds = array<i64: 5000, 128>}, {transform_indices = @transform_1, window_bounds = array<i64: 1, 128, 128>}, {transform_indices = @transform_2, window_bounds = array<i64: 1, 1, 128>}, {transform_indices = @transform_3, window_bounds = array<i64: 1, 128, 128>}, {transform_indices = @transform_4, window_bounds = array<i64: 1, 128, 128>}, {transform_indices = @transform_5, window_bounds = array<i64: 1, 1, 128>}, {transform_indices = @transform_6, window_bounds = array<i64: 5000, 128>}, {transform_indices = @transform_7, window_bounds = array<i64: 5000, 128>}]} {
    %get3A = arith.constant 0 : index
    %get3A_0 = arith.constant 0 : index
    %get3A_1 = vector.load %arg1[%get3A, %get3A_0] : memref<5000x128xf32, #tpu.memory_space<vmem>>, vector<5000x128xf32>
    %get3A_2 = arith.constant 0 : index
    %get3A_3 = arith.constant 0 : index
    %get3A_4 = arith.constant 0 : index
    %get3A_5 = vector.load %arg2[%get3A_2, %get3A_3, %get3A_4] : memref<1x128x128xf32, #tpu.memory_space<vmem>>, vector<1x128x128xf32>
    %get3A_6 = vector.shape_cast %get3A_5 : vector<1x128x128xf32> to vector<128x128xf32>
    %transpose3A = tpu.transpose %get3A_6, [1, 0] : vector<128x128xf32> -> vector<128x128xf32>
    %dot_general3A = arith.constant dense<0.000000e+00> : vector<5000x128xf32>
    %dot_general3A_7 = tpu.matmul %get3A_1, %transpose3A, %dot_general3A {dimension_numbers = #tpu.dot_dimension_numbers<[1], [0], [0], [1], [0, 0, 1, 1], [], []>, transpose_lhs_hint = false} : vector<5000x128xf32>, vector<128x128xf32>, vector<5000x128xf32> -> vector<5000x128xf32>
    %get3A_8 = arith.constant 0 : index
    %get3A_9 = arith.constant 0 : index
    %get3A_10 = arith.constant 0 : index
    %get3A_11 = vector.load %arg3[%get3A_8, %get3A_9, %get3A_10] : memref<1x1x128xf32, #tpu.memory_space<vmem>>, vector<1x1x128xf32>
    %get3A_12 = vector.shape_cast %get3A_11 : vector<1x1x128xf32> to vector<128xf32>
    %broadcast_in_dim3A = vector.shape_cast %get3A_12 : vector<128xf32> to vector<1x128xf32>
    %add3A = vector.broadcast %broadcast_in_dim3A : vector<1x128xf32> to vector<5000x128xf32>
    %add3A_13 = arith.addf %dot_general3A_7, %add3A : vector<5000x128xf32>
    %get3A_14 = arith.constant 0 : index
    %get3A_15 = arith.constant 0 : index
    %get3A_16 = arith.constant 0 : index
    %get3A_17 = vector.load %arg4[%get3A_14, %get3A_15, %get3A_16] : memref<1x128x128xf32, #tpu.memory_space<vmem>>, vector<1x128x128xf32>
    %get3A_18 = vector.shape_cast %get3A_17 : vector<1x128x128xf32> to vector<128x128xf32>
    %transpose3A_19 = tpu.transpose %get3A_18, [1, 0] : vector<128x128xf32> -> vector<128x128xf32>
    %dot_general3A_20 = arith.constant dense<0.000000e+00> : vector<5000x128xf32>
    %dot_general3A_21 = tpu.matmul %add3A_13, %transpose3A_19, %dot_general3A_20 {dimension_numbers = #tpu.dot_dimension_numbers<[1], [0], [0], [1], [0, 0, 1, 1], [], []>, transpose_lhs_hint = false} : vector<5000x128xf32>, vector<128x128xf32>, vector<5000x128xf32> -> vector<5000x128xf32>
    %swap3A = arith.constant 0 : index
    %swap3A_22 = arith.constant 0 : index
    %swap3A_23 = vector.load %arg7[%swap3A, %swap3A_22] : memref<5000x128xf32, #tpu.memory_space<vmem>>, vector<5000x128xf32>
    tpu.vector_store %arg7[%swap3A, %swap3A_22], %dot_general3A_21 {strides = array<i32>} : memref<5000x128xf32, #tpu.memory_space<vmem>>, vector<5000x128xf32>,
    %get3A_24 = arith.constant 0 : index
    %get3A_25 = arith.constant 0 : index
    %get3A_26 = arith.constant 0 : index
    %get3A_27 = vector.load %arg5[%get3A_24, %get3A_25, %get3A_26] : memref<1x128x128xf32, #tpu.memory_space<vmem>>, vector<1x128x128xf32>
    %get3A_28 = vector.shape_cast %get3A_27 : vector<1x128x128xf32> to vector<128x128xf32>
    %transpose3A_29 = tpu.transpose %get3A_28, [1, 0] : vector<128x128xf32> -> vector<128x128xf32>
    %dot_general3A_30 = arith.constant dense<0.000000e+00> : vector<5000x128xf32>
    %dot_general3A_31 = tpu.matmul %add3A_13, %transpose3A_29, %dot_general3A_30 {dimension_numbers = #tpu.dot_dimension_numbers<[1], [0], [0], [1], [0, 0, 1, 1], [], []>, transpose_lhs_hint = false} : vector<5000x128xf32>, vector<128x128xf32>, vector<5000x128xf32> -> vector<5000x128xf32>
    %get3A_32 = arith.constant 0 : index
    %get3A_33 = arith.constant 0 : index
    %get3A_34 = arith.constant 0 : index
    %get3A_35 = vector.load %arg6[%get3A_32, %get3A_33, %get3A_34] : memref<1x1x128xf32, #tpu.memory_space<vmem>>, vector<1x1x128xf32>
    %get3A_36 = vector.shape_cast %get3A_35 : vector<1x1x128xf32> to vector<128xf32>
    %broadcast_in_dim3A_37 = vector.shape_cast %get3A_36 : vector<128xf32> to vector<1x128xf32>
    %add3A_38 = vector.broadcast %broadcast_in_dim3A_37 : vector<1x128xf32> to vector<5000x128xf32>
    %add3A_39 = arith.addf %dot_general3A_31, %add3A_38 : vector<5000x128xf32>
    %swap3A_40 = arith.constant 0 : index
    %swap3A_41 = arith.constant 0 : index
    %swap3A_42 = vector.load %arg8[%swap3A_40, %swap3A_41] : memref<5000x128xf32, #tpu.memory_space<vmem>>, vector<5000x128xf32>
    tpu.vector_store %arg8[%swap3A_40, %swap3A_41], %add3A_39 {strides = array<i32>} : memref<5000x128xf32, #tpu.memory_space<vmem>>, vector<5000x128xf32>,
    return
  }
  func.func @transform_0(%arg0: i32) -> (i32, i32) {
    %jit3A = arith.constant 2 : i32
    %eq3A = arith.constant 0 : i32
    %eq3A_0 = arith.cmpi eq, %jit3A, %eq3A : i32
    %jit3A_1 = arith.constant 1 : i32
    %select_n3A = arith.select %eq3A_0, %jit3A_1, %jit3A : i32
    %rem3A = arith.remsi %arg0, %select_n3A : i32
    %ne3A = arith.constant 0 : i32
    %ne3A_2 = arith.cmpi ne, %rem3A, %ne3A : i32
    %lt3A = arith.constant 0 : i32
    %lt3A_3 = arith.cmpi slt, %rem3A, %lt3A : i32
    %lt3A_4 = arith.constant 0 : i32
    %lt3A_5 = arith.cmpi slt, %select_n3A, %lt3A_4 : i32
    %ne3A_6 = arith.xori %lt3A_3, %lt3A_5 : i1
    %and3A = arith.andi %ne3A_6, %ne3A_2 : i1
    %add3A = arith.addi %rem3A, %select_n3A : i32
    %select_n3A_7 = arith.select %and3A, %add3A, %rem3A : i32
    %c0_i32 = arith.constant 0 : i32
    %c0_i32_8 = arith.constant 0 : i32
    return %select_n3A_7, %c0_i32 : i32, i32
  }
  func.func @transform_1(%arg0: i32) -> (i32, i32, i32) {
    %jit3A = arith.constant 2 : i32
    %eq3A = arith.constant 0 : i32
    %eq3A_0 = arith.cmpi eq, %jit3A, %eq3A : i32
    %jit3A_1 = arith.constant 1 : i32
    %select_n3A = arith.select %eq3A_0, %jit3A_1, %jit3A : i32
    %rem3A = arith.remsi %arg0, %select_n3A : i32
    %ne3A = arith.constant 0 : i32
    %ne3A_2 = arith.cmpi ne, %rem3A, %ne3A : i32
    %lt3A = arith.constant 0 : i32
    %lt3A_3 = arith.cmpi slt, %rem3A, %lt3A : i32
    %lt3A_4 = arith.constant 0 : i32
    %lt3A_5 = arith.cmpi slt, %select_n3A, %lt3A_4 : i32
    %ne3A_6 = arith.xori %lt3A_3, %lt3A_5 : i1
    %and3A = arith.andi %ne3A_6, %ne3A_2 : i1
    %add3A = arith.addi %rem3A, %select_n3A : i32
    %select_n3A_7 = arith.select %and3A, %add3A, %rem3A : i32
    %c0_i32 = arith.constant 0 : i32
    %c0_i32_8 = arith.constant 0 : i32
    %c0_i32_9 = arith.constant 0 : i32
    return %select_n3A_7, %c0_i32, %c0_i32_8 : i32, i32, i32
  }
  func.func @transform_2(%arg0: i32) -> (i32, i32, i32) {
    %jit3A = arith.constant 2 : i32
    %eq3A = arith.constant 0 : i32
    %eq3A_0 = arith.cmpi eq, %jit3A, %eq3A : i32
    %jit3A_1 = arith.constant 1 : i32
    %select_n3A = arith.select %eq3A_0, %jit3A_1, %jit3A : i32
    %rem3A = arith.remsi %arg0, %select_n3A : i32
    %ne3A = arith.constant 0 : i32
    %ne3A_2 = arith.cmpi ne, %rem3A, %ne3A : i32
    %lt3A = arith.constant 0 : i32
    %lt3A_3 = arith.cmpi slt, %rem3A, %lt3A : i32
    %lt3A_4 = arith.constant 0 : i32
    %lt3A_5 = arith.cmpi slt, %select_n3A, %lt3A_4 : i32
    %ne3A_6 = arith.xori %lt3A_3, %lt3A_5 : i1
    %and3A = arith.andi %ne3A_6, %ne3A_2 : i1
    %add3A = arith.addi %rem3A, %select_n3A : i32
    %select_n3A_7 = arith.select %and3A, %add3A, %rem3A : i32
    %c0_i32 = arith.constant 0 : i32
    %c0_i32_8 = arith.constant 0 : i32
    %c0_i32_9 = arith.constant 0 : i32
    return %select_n3A_7, %c0_i32, %c0_i32_8 : i32, i32, i32
  }
  func.func @transform_3(%arg0: i32) -> (i32, i32, i32) {
    %c0_i32 = arith.constant 0 : i32
    %c0_i32_0 = arith.constant 0 : i32
    %c0_i32_1 = arith.constant 0 : i32
    return %arg0, %c0_i32, %c0_i32_0 : i32, i32, i32
  }
  func.func @transform_4(%arg0: i32) -> (i32, i32, i32) {
    %c0_i32 = arith.constant 0 : i32
    %c0_i32_0 = arith.constant 0 : i32
    %c0_i32_1 = arith.constant 0 : i32
    return %arg0, %c0_i32, %c0_i32_0 : i32, i32, i32
  }
  func.func @transform_5(%arg0: i32) -> (i32, i32, i32) {
    %c0_i32 = arith.constant 0 : i32
    %c0_i32_0 = arith.constant 0 : i32
    %c0_i32_1 = arith.constant 0 : i32
    return %arg0, %c0_i32, %c0_i32_0 : i32, i32, i32
  }
  func.func @transform_6(%arg0: i32) -> (i32, i32) {
    %c0_i32 = arith.constant 0 : i32
    %c0_i32_0 = arith.constant 0 : i32
    return %arg0, %c0_i32 : i32, i32
  }
  func.func @transform_7(%arg0: i32) -> (i32, i32) {
    %c0_i32 = arith.constant 0 : i32
    %c0_i32_0 = arith.constant 0 : i32
    return %arg0, %c0_i32 : i32, i32
  }
}

module attributes {stable_mosaic.version = 14 : i64} {
  func.func @_inter_body(%arg0: i32, %arg1: memref<2x5000x128xf32, #tpu.memory_space<vmem>>, %arg2: memref<1x128x128xf32, #tpu.memory_space<vmem>>, %arg3: memref<1x1x128xf32, #tpu.memory_space<vmem>>, %arg4: memref<5000x128xf32, #tpu.memory_space<vmem>>) attributes {dimension_semantics = [#tpu.dimension_semantics<arbitrary>], iteration_bounds = array<i64: 2>, scalar_prefetch = 0 : i64, scratch_operands = 0 : i64, tpu.core_type = #tpu.core_type<tc>, window_params = [{transform_indices = @transform_0, window_bounds = array<i64: 2, 5000, 128>}, {transform_indices = @transform_1, window_bounds = array<i64: 1, 128, 128>}, {transform_indices = @transform_2, window_bounds = array<i64: 1, 1, 128>}, {transform_indices = @transform_3, window_bounds = array<i64: 5000, 128>}]} {
    %get3A = arith.constant 0 : index
    %get3A_0 = arith.constant 0 : index
    %get3A_1 = arith.constant 0 : index
    %get3A_2 = vector.load %arg1[%get3A, %get3A_0, %get3A_1] : memref<2x5000x128xf32, #tpu.memory_space<vmem>>, vector<1x5000x128xf32>
    %get3A_3 = vector.shape_cast %get3A_2 : vector<1x5000x128xf32> to vector<5000x128xf32>
    %get3A_4 = arith.constant 1 : index
    %get3A_5 = arith.constant 0 : index
    %get3A_6 = arith.constant 0 : index
    %get3A_7 = vector.load %arg1[%get3A_4, %get3A_5, %get3A_6] : memref<2x5000x128xf32, #tpu.memory_space<vmem>>, vector<1x5000x128xf32>
    %get3A_8 = vector.shape_cast %get3A_7 : vector<1x5000x128xf32> to vector<5000x128xf32>
    %add3A = arith.addf %get3A_3, %get3A_8 : vector<5000x128xf32>
    %mul3A = arith.constant 5.000000e-01 : f32
    %mul3A_9 = vector.broadcast %mul3A : f32 to vector<5000x128xf32>
    %mul3A_10 = arith.mulf %mul3A_9, %add3A : vector<5000x128xf32>
    %get3A_11 = arith.constant 0 : index
    %get3A_12 = arith.constant 0 : index
    %get3A_13 = arith.constant 0 : index
    %get3A_14 = vector.load %arg2[%get3A_11, %get3A_12, %get3A_13] : memref<1x128x128xf32, #tpu.memory_space<vmem>>, vector<1x128x128xf32>
    %get3A_15 = vector.shape_cast %get3A_14 : vector<1x128x128xf32> to vector<128x128xf32>
    %transpose3A = tpu.transpose %get3A_15, [1, 0] : vector<128x128xf32> -> vector<128x128xf32>
    %dot_general3A = arith.constant dense<0.000000e+00> : vector<5000x128xf32>
    %dot_general3A_16 = tpu.matmul %mul3A_10, %transpose3A, %dot_general3A {dimension_numbers = #tpu.dot_dimension_numbers<[1], [0], [0], [1], [0, 0, 1, 1], [], []>, transpose_lhs_hint = false} : vector<5000x128xf32>, vector<128x128xf32>, vector<5000x128xf32> -> vector<5000x128xf32>
    %get3A_17 = arith.constant 0 : index
    %get3A_18 = arith.constant 0 : index
    %get3A_19 = arith.constant 0 : index
    %get3A_20 = vector.load %arg3[%get3A_17, %get3A_18, %get3A_19] : memref<1x1x128xf32, #tpu.memory_space<vmem>>, vector<1x1x128xf32>
    %get3A_21 = vector.shape_cast %get3A_20 : vector<1x1x128xf32> to vector<128xf32>
    %broadcast_in_dim3A = vector.shape_cast %get3A_21 : vector<128xf32> to vector<1x128xf32>
    %add3A_22 = vector.broadcast %broadcast_in_dim3A : vector<1x128xf32> to vector<5000x128xf32>
    %add3A_23 = arith.addf %dot_general3A_16, %add3A_22 : vector<5000x128xf32>
    %swap3A = arith.constant 0 : index
    %swap3A_24 = arith.constant 0 : index
    %swap3A_25 = vector.load %arg4[%swap3A, %swap3A_24] : memref<5000x128xf32, #tpu.memory_space<vmem>>, vector<5000x128xf32>
    tpu.vector_store %arg4[%swap3A, %swap3A_24], %add3A_23 {strides = array<i32>} : memref<5000x128xf32, #tpu.memory_space<vmem>>, vector<5000x128xf32>,
    return
  }
  func.func @transform_0(%arg0: i32) -> (i32, i32, i32) {
    %c0_i32 = arith.constant 0 : i32
    %c0_i32_0 = arith.constant 0 : i32
    %c0_i32_1 = arith.constant 0 : i32
    return %c0_i32, %arg0, %c0_i32_0 : i32, i32, i32
  }
  func.func @transform_1(%arg0: i32) -> (i32, i32, i32) {
    %c0_i32 = arith.constant 0 : i32
    %c0_i32_0 = arith.constant 0 : i32
    %c0_i32_1 = arith.constant 0 : i32
    return %arg0, %c0_i32, %c0_i32_0 : i32, i32, i32
  }
  func.func @transform_2(%arg0: i32) -> (i32, i32, i32) {
    %c0_i32 = arith.constant 0 : i32
    %c0_i32_0 = arith.constant 0 : i32
    %c0_i32_1 = arith.constant 0 : i32
    return %arg0, %c0_i32, %c0_i32_0 : i32, i32, i32
  }
  func.func @transform_3(%arg0: i32) -> (i32, i32) {
    %c0_i32 = arith.constant 0 : i32
    %c0_i32_0 = arith.constant 0 : i32
    return %arg0, %c0_i32 : i32, i32
  }
}

</mosaic_0001>

<sc_bundles>
// kernel: kernel.6.cloned.1.call-start
scs
__scs_entry_jumppad:
0x0: {  	(pc) =	sbr.rel $0x88, $3  }
0x1: {  	(tag) =	ssettag $0x0;
	lr =	simm.s32 $0x1  }
0x2: {  	[smem:$0x3F8F] =	sst lr;
	_ =	strace $0xD0000000  }
0x3: {  	_ = 	snop  }
0x4: {  	_ = 	snop  }
0x5: {  	_ = 	snop  }
0x6: {  	_ = 	snop  }
0x7: {  	_ = 	snop  }
__scs_overlays_trampoline_lowered:
0x8: {  	[smem:$0x3F9E] =	sst s0  }
0x9: {  	[smem:$0x3F9F] =	sst s1  }
0xa: {  	[smem:$0x3FA0] =	sst s2  }
0xb: {  	[smem:$0x3FA1] =	sst s3  }
0xc: {  	[smem:$0x3FA2] =	sst s4  }
0xd: {  	[smem:$0x3FA3] =	sst s5  }
0xe: {  	[smem:$0x3FA4] =	sst s6  }
0xf: {  	[smem:$0x3FA5] =	sst s7  }
0x10: {  	[smem:$0x3FA6] =	sst s8  }
0x11: {  	[smem:$0x3FA7] =	sst s9;
	s0 =	simm.s32 @!p0 $0x0  }
0x12: {  	s1 =	sld [smem:$0x3F8D];
	s0 =	simm.s32 @p0 $0x1  }
0x13: {  	[smem:$0x3FA8] =	sst s0;
	s0 =	simm.s32 @!p1 $0x0  }
0x14: {  	s2 =	sld [smem:$0x3F8C];
	s0 =	simm.s32 @p1 $0x1  }
0x15: {  	[smem:$0x3FA9] =	sst s0;
	s0 =	simm.s32 @!p2 $0x0  }
0x16: {  	s3 =	sld [smem:$0x3FDB];
	s0 =	simm.s32 @p2 $0x1  }
0x17: {  	s4 =	simm.s32 $0x1BF5;
	[smem:$0x3FAB] =	sst s0  }
0x18: {  	s0 =	sld [smem:$0x3F8E];
	_ =	swait.ge [sflag:s4], $0x0  }
0x19: {  	s7 =	sld [smem:$0x3F8F]  }
0x1a: {  	s8 =	sadd.s32 $0xFFFFE003, lr  }
0x1b: {  	s9 =	sadd.s32 $0xFFFFFEF7, lr;
	s5 =	simm.s32 $0xFFFFFFFF;
	p2 =	slt.u32 s8, $0xFFFFF086  }
0x1c: {  	p1 =	slt.u32 s9, $0xF7A;
	s5 =	simm.s32 @!p2 $0x0  }
0x1d: {  	s5 =	simm.s32 @p1 $0x1;
	p0 =	seq.s32 s7, s2  }
0x1e: {  	s7 =	smul.u32 @!p0 $0xF7A, s2;
	p2 =	seq.s32 @!p0 s5, $0x0  }
0x1f: {  	s9 =	smul.u32 $0xF7A, s1;
	s8 =	simm.s32 @!p0 $0x1BF5;
	p2 =	por !p2, p0  }
0x20: {  	[sflag:s8] =	ssyncset.s32 @!p0 $0xFFFFF086;
	s6 =	sadd.s32 @!p0 s3, s7;
	s7 =	simm.s32 @!p0 $0x108  }
0x21: {  	s3 =	sadd.s32 s3, s9;
	s6 =	sadd.s32 @!p0 $0x88, s6;
	s7 =	simm.s32 @p2 $0x1082  }
0x22: {  	[simem:s7], [sflag:s8] =	dma.local @!p0 [hbm:s6], $0xF7A  }
0x23: {  	s9 =	sor.u32 $0xD0000000, s2;
	s6 =	simm.s32 $0x108;
	_ =	swait.ge @!p0 [sflag:s8], $0x0  }
0x24: {  	s3 =	sadd.s32 $0x88, s3;
	s6 =	simm.s32 @!p1 $0x1082;
	[sflag:s4] =	ssyncset.s32 $0xFFFFF086  }
0x25: {  	[simem:s6], [sflag:s4] =	dma.local [hbm:s3], $0xF7A  }
0x26: {  	[smem:$0x3F8F] =	sst s1;
	(tag) =	ssettag s2;
	_ =	strace s9  }
0x27: {  	s1 =	sld [smem:$0x3F9F]  }
0x28: {  	s2 =	sld [smem:$0x3FA0]  }
0x29: {  	s4 =	sld [smem:$0x3FA2]  }
0x2a: {  	p0 =	seq.s32 s5, $0x0;
	s5 =	sld [smem:$0x3FA3]  }
0x2b: {  	s6 =	sld [smem:$0x3FA4]  }
0x2c: {  	s7 =	sld [smem:$0x3FA5]  }
0x2d: {  	s3 =	simm.s32 $0x108;
	s8 =	sld [smem:$0x3FA6]  }
0x2e: {  	s3 =	simm.s32 @!p0 $0x1082;
	s9 =	sld [smem:$0x3FA7]  }
0x2f: {  	lr =	sadd.s32 s0, s3;
	s0 =	sld [smem:$0x3F9E]  }
0x30: {  	s3 =	sld [smem:$0x3FA1]  }
0x31: {  	[smem:$0x3FAA] =	sst s10  }
0x32: {  	s10 =	sld [smem:$0x3FA8];
	_ =	sdelay $0x3  }
0x33: {  	p0 =	seq.s32 s10, $0x1;
	s10 =	sld [smem:$0x3FAA];
	_ =	sdelay $0x3  }
0x34: {  	[smem:$0x3FAA] =	sst s10  }
0x35: {  	s10 =	sld [smem:$0x3FA9];
	_ =	sdelay $0x3  }
0x36: {  	p1 =	seq.s32 s10, $0x1;
	s10 =	sld [smem:$0x3FAA];
	_ =	sdelay $0x3  }
0x37: {  	[smem:$0x3FAA] =	sst s10  }
0x38: {  	s10 =	sld [smem:$0x3FAB]  }
0x39: {  	_ = 	snop;
	(pc) =	sbr.ind lr, $3  }
0x3a: {  	_ = 	snop  }
0x3b: {  	_ = 	snop  }
0x3c: {  	p2 =	seq.s32 s10, $0x1;
	s10 =	sld [smem:$0x3FAA]  }
0x3d: {  	_ =	shalt  }
0x3e: {  	_ =	shalt  }
0x3f: {  	_ =	shalt  }
0x40: {  	_ =	shalt  }
0x41: {  	_ =	shalt  }
0x42: {  	_ =	shalt  }
0x43: {  	_ =	shalt  }
0x44: {  	_ =	shalt  }
0x45: {  	_ =	shalt  }
0x46: {  	_ =	shalt  }
0x47: {  	_ =	shalt  }
0x48: {  	_ =	shalt  }
0x49: {  	_ =	shalt  }
0x4a: {  	_ =	shalt  }
0x4b: {  	_ =	shalt  }
0x4c: {  	_ =	shalt  }
0x4d: {  	_ =	shalt  }
0x4e: {  	_ =	shalt  }
0x4f: {  	_ =	shalt  }
0x50: {  	_ =	shalt  }
0x51: {  	_ =	shalt  }
0x52: {  	_ =	shalt  }
0x53: {  	_ =	shalt  }
0x54: {  	_ =	shalt  }
0x55: {  	_ =	shalt  }
0x56: {  	_ =	shalt  }
0x57: {  	_ =	shalt  }
0x58: {  	_ =	shalt  }
0x59: {  	_ =	shalt  }
0x5a: {  	_ =	shalt  }
0x5b: {  	_ =	shalt  }
0x5c: {  	_ =	shalt  }
0x5d: {  	_ =	shalt  }
0x5e: {  	_ =	shalt  }
0x5f: {  	_ =	shalt  }
0x60: {  	_ =	shalt  }
0x61: {  	_ =	shalt  }
0x62: {  	_ =	shalt  }
0x63: {  	_ =	shalt  }
0x64: {  	_ =	shalt  }
0x65: {  	_ =	shalt  }
0x66: {  	_ =	shalt  }
0x67: {  	_ =	shalt  }
0x68: {  	_ =	shalt  }
0x69: {  	_ =	shalt  }
0x6a: {  	_ =	shalt  }
0x6b: {  	_ =	shalt  }
0x6c: {  	_ =	shalt  }
0x6d: {  	_ =	shalt  }
0x6e: {  	_ =	shalt  }
0x6f: {  	_ =	shalt  }
0x70: {  	_ =	shalt  }
0x71: {  	_ =	shalt  }
0x72: {  	_ =	shalt  }
0x73: {  	_ =	shalt  }
0x74: {  	_ =	shalt  }
0x75: {  	_ =	shalt  }
0x76: {  	_ =	shalt  }
0x77: {  	_ =	shalt  }
0x78: {  	_ =	shalt  }
0x79: {  	_ =	shalt  }
0x7a: {  	_ =	shalt  }
0x7b: {  	_ =	shalt  }
0x7c: {  	_ =	shalt  }
0x7d: {  	_ =	shalt  }
0x7e: {  	_ =	shalt  }
0x7f: {  	_ =	shalt  }
0x80: {  	_ =	shalt  }
0x81: {  	_ =	shalt  }
0x82: {  	_ =	shalt  }
0x83: {  	_ =	shalt  }
0x84: {  	_ =	shalt  }
0x85: {  	_ =	shalt  }
0x86: {  	_ =	shalt  }
0x87: {  	_ =	shalt  }
.Lfunc_end0:
.L_simem_size_0:
called_computation_lowered:
.L_overlay_start_0:
0x88: {  	s2 =	sld [smem:$0x3FD9]  }
0x89: {  	s3 =	sld [smem:$0x3FFE];
	_ =	sdelay $0x1  }
0x8a: {  	s1 =	srdreg.scid  }
0x8b: {  	s0 =	sand.u32 $0x1, s1  }
0x8c: {  	s17 =	sshll.u32 s0, $0xA;
	s2 =	sadd.s32 s3, s2  }
0x8d: {  	s2 =	sadd.s32 s2, s17  }
0x8e: {  	[smem:$0x3FB6] =	sst s2  }
0x8f: {  	_ = 	snop  }
0x90: {  	s2 =	sld [smem:$0x3FD0];
	(tm) =	ssettm $0x1  }
0x91: {  	s18 =	sld [smem:$0x3FFB];
	_ =	sdelay $0x3  }
0x92: {  	_ =	strace s18  }
0x93: {  	s3 =	sld [smem:$0x3FFC];
	_ =	sdelay $0x3  }
0x94: {  	_ =	strace s3  }
0x95: {  	s3 =	sld [smem:$0x3FFD];
	_ =	sdelay $0x3  }
0x96: {  	_ =	strace s3  }
0x97: {  	_ =	strace $0x8FFFFFFF  }
0x98: {  	s19 =	sld [smem:$0x3FDB];
	_ =	sdelay $0x1  }
0x99: {  	s4 =	simm.s32 $_scs_section_size  }
0x9a: {  	s5 =	simm.s32 $_size__tile_overlayer_lowered;
	s6 =	simm.s32 $_tile_overlayer_lowered  }
0x9b: {  	s22 =	simm.s32 $0x1BFF;
	s21 =	sshll.u32 s6, $0x1;
	s3 =	sadd.s32 s4, s19  }
0x9c: {  	s7 =	simm.s32 $0x0;
	s20 =	sshll.u32 s5, $0x1;
	s5 =	sadd.s32 s21, s3  }
0x9d: {  	[timem:s7], [sflag:s22] =	dma.local [hbm:s5], s20  }
0x9e: {  	_ =	swait.ge [sflag:s22], s20  }
0x9f: {  	s4 =	ssub.s32 $0x0, s20;
	[sflag:s22] =	ssyncset.done $0x0  }
0xa0: {  	[sflag:s22] =	ssyncadd.s32 s4;
	_ =	sdelay $0x1  }
0xa1: {  	s23 =	simm.s32 $0x1B8B  }
0xa2: {  	_ =	swait.ge [sflag:s23], $0x1  }
0xa3: {  	[sflag:s23] =	ssyncset.done $0x0  }
0xa4: {  	s25 =	simm.s32 $0x1B8E;
	s24 =	sld [smem:$0x3FFE];
	[sflag:s23] =	ssyncadd.s32 $0xFFFFFFFF  }
0xa5: {  	s26 =	simm.s32 $execute0_lowered;
	[smem:$0x3FD2] =	sst s25  }
0xa6: {  	s5 =	sshll.u32 s26, $0x1;
	_ =	strace $0x80000046;
	[dreg:$0x1] =	wrdreg $0xFFFFFFFF  }
0xa7: {  	s28 =	simm.s32 $_size_execute0_lowered;
	s3 =	sadd.s32 s3, s5;
	[dreg:$0x0] =	wrdreg $0x0  }
0xa8: {  	s5 =	sshll.u32 s28, $0x1;
	[dreg:$0x2] =	wrdreg s3  }
0xa9: {  	[dreg:$0x3] =	wrdreg s5  }
0xaa: {  	[dreg:$0x4] =	wrdreg $0xC0  }
0xab: {  	_ =	task [dreg:s7], $0x5FFFF  }
0xac: {  	[dreg:$0x1] =	wrdreg $0xFFFFFFFF  }
0xad: {  	[dreg:$0x0] =	wrdreg $0x60  }
0xae: {  	[dreg:$0x2] =	wrdreg s2  }
0xaf: {  	[dreg:$0x3] =	wrdreg s24  }
0xb0: {  	[dreg:$0x4] =	wrdreg $0xC4000  }
0xb1: {  	[dreg:$0x5] =	wrdreg $0x9  }
0xb2: {  	_ =	task.clear_ibuf [dreg:s7], $0x6FFFF;
	_ =	strace $0x90000046  }
0xb3: {  	s29 =	simm.s32 $0x9;
	_ =	strace $0x80000048  }
0xb4: {  	_ =	swait.ge [sflag:s29], $0x1  }
0xb5: {  	[sflag:s29] =	ssyncadd.s32 $0xFFFFFFFF  }
0xb6: {  	_ =	strace $0x90000048  }
0xb7: {  	_ =	sfence  }
0xb8: {  	s30 =	sld [smem:$0x0];
	_ =	sdelay $0x2  }
0xb9: {  	s31 =	sshll.u32 s1, $0xD;
	s1 =	sshrl.u32 s1, $0x2  }
0xba: {  	s3 =	sand.u32 $0x4000, s31;
	s1 =	sadd.s32 s1, s30  }
0xbb: {  	s0 =	sor.u32 s3, s0;
	s1 =	sshll.u32 s1, $0x11  }
0xbc: {  	s0 =	sor.u32 s1, s0  }
0xbd: {  	s0 =	sadd.s32 $0x8F2B, s0  }
0xbe: {  	[sflag:s0] =	ssyncadd.remote.s32 $0x1  }
0xbf: {  	_ =	sfence.sel $0xFFFF  }
0xc0: {  	[dreg:$0x0] =	wrdreg $0xFFFFFFFF;
	(pc) =	sbr.abs _section_cstart, $3  }
0xc1: {  	[dreg:$0x1] =	wrdreg $0xFFFFFFFF  }
0xc2: {  	_ =	task.clear_ibuf [dreg:s7], $0x2FFFF;
	_ =	strace $0x9FFFFFFF  }
0xc3: {  	(tm) =	ssettm $0x7FFFFFFF  }
tec
execute0_lowered:
.L_overlay_start_1:
0x0: {  	(tag) =	ssettag $0x1  }
0x1: {  	s1 =	rddreg [dreg:$0x0]  }
0x2: {  	s0 =	rddreg [dreg:$0x1]  }
0x3: {  	s2 =	rddreg [dreg:$0x2];
	s4 =	simm.s32 $0x0  }
0x4: {  	s3 =	srdreg.scid;
	s13 =	stileid.u32;
	s28 =	simm.s32 $0x1  }
0x5: {  	s29 =	simm.s32 $0x60;
	s30 =	simm.s32 $0x400;
	s31 =	simm.s32 $0x6400  }
0x6: {  	[smem:$0x7FF] =	sst s4;
	s3 =	sand.u32 $0x1, s3;
	s10 =	smul.u32 $0x13C00, s13  }
0x7: {  	s5 =	sadd.s32 $0x2A00, s0;
	s6 =	sadd.s32 $0xCE00, s0;
	s7 =	sadd.s32 $0x65400, s0  }
0x8: {  	s8 =	sadd.s32 $0x17200, s0;
	s11 =	smul.u32 $0x4F000, s13;
	s14 =	sadd.s32 $0xB3600, s0  }
0x9: {  	s15 =	sshll.u32 s13, $0x6;
	s9 =	smul.u32 $0x13C000, s3;
	_ =	strace $0x80000047  }
0xa: {  	s12 =	sshll.u32 s3, $0x4;
	s3 =	ssub.s32 $0x2, s3;
	[dreg:$0x4] =	wrdreg s14  }
0xb: {  	s18 =	sor.u32 $0x1C07, s15;
	s15 =	simm.s32 $0x300;
	s14 =	sshrl.u32 s11, $0x2  }
0xc: {  	[dreg:$0x5] =	wrdreg s18;
	s9 =	sadd.s32 s10, s9;
	s10 =	sor.u32 s13, s12  }
0xd: {  	s12 =	sshrl.u32 s3, $0x1;
	s13 =	simm.s32 $0x9400;
	s9 =	sshrl.u32 s9, $0x3  }
0xe: {  	s10 =	smul.u32 $0x2880, s10;
	s3 =	ssub.s32 s3, s12;
	s0 =	sadd.s32 s9, s0  }
0xf: {  	s9 =	sadd.s32 s14, s2;
	s26 =	smax.u32 s3, $0x1;
	s3 =	simm.s32 $0x180  }
0x10: {  	s14 =	simm.s32 $0x3;
	s23 =	sadd.s32 $0xC0, s10;
	[dreg:$0x10] =	wrdreg s26  }
0x11: {  	s16 =	sshrl.u32 s10, $0x3;
	s24 =	sadd.s32 $0x120, s10;
	[dreg:$0xc] =	wrdreg s23  }
0x12: {  	s25 =	sadd.s32 $0x180, s10;
	s0 =	sadd.s32 $0xB5E00, s0;
	[dreg:$0xd] =	wrdreg s24  }
0x13: {  	s26 =	simm.s32 $0x200;
	s17 =	sadd.s32 s1, s16;
	[dreg:$0xe] =	wrdreg s25  }
0x14: {  	s19 =	sadd.s32 s5, s16;
	s20 =	sadd.s32 s6, s16;
	[dreg:$0xf] =	wrdreg s0  }
0x15: {  	s21 =	sor.u32 $0xC, s16;
	s23 =	simm.s32 $0x7;
	[dreg:$0x6] =	wrdreg s17  }
0x16: {  	s25 =	simm.s32 $0x100;
	s0 =	simm.s32 $0x80;
	[dreg:$0x7] =	wrdreg s19  }
0x17: {  	s16 =	simm.s32 $0x5;
	s24 =	simm.s32 $0x0;
	[dreg:$0x8] =	wrdreg s20  }
0x18: {  	s12 =	sadd.s32 s1, s21;
	s22 =	sadd.s32 s5, s21;
	s11 =	sadd.s32 s6, s21  }
0x19: {  	s20 =	sadd.s32 $0x1E0, s10;
	s19 =	sshrl.u32 s9, $0x3;
	[dreg:$0x9] =	wrdreg s12  }
0x1a: {  	s9 =	simm.s32 $0x280;
	s21 =	simm.s32 $0x4;
	[dreg:$0xa] =	wrdreg s22  }
0x1b: {  	s10 =	simm.s32 $0x6;
	[dreg:$0xb] =	wrdreg s11;
	s11 =	simm.s32 $0x2  }
0x1c: {  	s12 =	simm.s32 $0x3400;
	s22 =	simm.s32 $0x380;
	[dreg:$0x11] =	wrdreg s19  }
.LBB2_1:
0x1d: {  	[dreg:$0x12] =	wrdreg s24  }
0x1e: {  	s17 =	rddreg [dreg:$0x4]  }
0x1f: {  	[spmem:s19], [sflag:s18] =	dma.local [hbm:s17], $0x2780  }
0x20: {  	_ =	swait.ge [sflag:s23], $0x2780  }
0x21: {  	[sflag:s23] =	ssyncset.done $0x0  }
0x22: {  	[sflag:s23] =	ssyncadd.s32 $0xFFFFD880  }
0x23: {  	[bflag:$0x0] =	sbarrier.arrive $0xFFFF  }
0x24: {  	s23 =	rddreg [dreg:$0x6]  }
0x25: {  	[tilespmem:s4], [sflag:$0x1] =	stream.linear.gather [hbm4b:s23+s4], $0x60, $0x38;
	v63 =	vld [tilespmem:$0x0]  }
0x26: {  	s24 =	rddreg [dreg:$0x7]  }
0x27: {  	[tilespmem:s25], [sflag:$0x1] =	stream.linear.gather [hbm4b:s24+s4], $0x60, $0x38;
	v63 =	vld [tilespmem:$0x0]  }
0x28: {  	s18 =	rddreg [dreg:$0x8]  }
0x29: {  	[tilespmem:s26], [sflag:$0x1] =	stream.linear.gather [hbm4b:s18+s4], $0x60, $0x38;
	v63 =	vld [tilespmem:$0x0]  }
0x2a: {  	_ =	swait.ge [sflag:s28], $0x60  }
0x2b: {  	[sflag:s28] =	ssyncset.done $0x0  }
0x2c: {  	[sflag:s28] =	ssyncadd.s32 $0xFFFFFFA0  }
0x2d: {  	_ =	swait.ge [sflag:s28], $0x60  }
0x2e: {  	[sflag:s28] =	ssyncset.done $0x0  }
0x2f: {  	[sflag:s28] =	ssyncadd.s32 $0xFFFFFFA0  }
0x30: {  	_ =	swait.ge [sflag:s28], $0x60  }
0x31: {  	[sflag:s28] =	ssyncset.done $0x0  }
0x32: {  	[sflag:s28] =	ssyncadd.s32 $0xFFFFFFA0  }
0x33: {  	[tilespmem:s30], [sflag:$0x3] =	stream.indirect.gather [hbm4b:s7+s29], $0x80, s4, s29, $0xb8;
	v63 =	vld [tilespmem:$0x0]  }
0x34: {  	_ = 	snop  }
0x35: {  	[tilespmem:s31], [sflag:$0x3] =	stream.indirect.gather [hbm4b:s8+s29], $0x80, s25, s29, $0xb8;
	v63 =	vld [tilespmem:$0x0]  }
0x36: {  	s19 =	rddreg [dreg:$0x9]  }
0x37: {  	[tilespmem:s0], [sflag:$0x2] =	stream.linear.gather [hbm4b:s19+s4], $0x60, $0x38;
	v63 =	vld [tilespmem:$0x0]  }
0x38: {  	s23 =	rddreg [dreg:$0xa]  }
0x39: {  	[tilespmem:s3], [sflag:$0x2] =	stream.linear.gather [hbm4b:s23+s4], $0x60, $0x38;
	v63 =	vld [tilespmem:$0x0]  }
0x3a: {  	s24 =	rddreg [dreg:$0xb]  }
0x3b: {  	[tilespmem:s9], [sflag:$0x2] =	stream.linear.gather [hbm4b:s24+s4], $0x60, $0x38;
	v63 =	vld [tilespmem:$0x0]  }
0x3c: {  	s24 =	simm.s32 $0x0  }
.LBB2_2:
0x3d: {  	_ =	swait.ge [sflag:s11], $0x60  }
0x3e: {  	[sflag:s11] =	ssyncset.done $0x0  }
0x3f: {  	[sflag:s11] =	ssyncadd.s32 $0xFFFFFFA0  }
0x40: {  	_ =	swait.ge [sflag:s11], $0x60  }
0x41: {  	[sflag:s11] =	ssyncset.done $0x0  }
0x42: {  	[sflag:s11] =	ssyncadd.s32 $0xFFFFFFA0  }
0x43: {  	_ =	swait.ge [sflag:s11], $0x60  }
0x44: {  	p0 =	seq.s32 s24, $0x0;
	[sflag:s11] =	ssyncset.done $0x0  }
0x45: {  	s17 =	simm.s32 @!p0 $0x6;
	[sflag:s11] =	ssyncadd.s32 $0xFFFFFFA0  }
0x46: {  	_ =	swait.ge @!p0 [sflag:s17], $0x3000  }
0x47: {  	[sflag:s17] =	ssyncset.done @!p0 $0x0  }
0x48: {  	[sflag:s17] =	ssyncadd.s32 @!p0 $0xFFFFD000  }
0x49: {  	[tilespmem:s12], [sflag:$0x4] =	stream.indirect.gather [hbm4b:s7+s29], $0x80, s0, s29, $0xb8;
	v63 =	vld [tilespmem:$0x0]  }
0x4a: {  	_ = 	snop  }
0x4b: {  	[tilespmem:s13], [sflag:$0x4] =	stream.indirect.gather [hbm4b:s8+s29], $0x80, s3, s29, $0xb8;
	v63 =	vld [tilespmem:$0x0]  }
0x4c: {  	_ =	swait.ge [sflag:s14], $0x3000  }
0x4d: {  	[sflag:s14] =	ssyncset.done $0x0  }
0x4e: {  	[sflag:s14] =	ssyncadd.s32 $0xFFFFD000  }
0x4f: {  	_ =	swait.ge [sflag:s14], $0x3000  }
0x50: {  	[sflag:s14] =	ssyncset.done $0x0  }
0x51: {  	s23 =	simm.s32 $0x0;
	[sflag:s14] =	ssyncadd.s32 $0xFFFFD000  }
0x52: {  	v7 =	vld [tilespmem:s23+$0x6400]  }
0x53: {  	v11 =	vld [tilespmem:s23+$0x6410]  }
0x54: {  	v5 =	vld [tilespmem:s23+$0x6420]  }
0x55: {  	v3 =	vld [tilespmem:s23+$0x6430]  }
0x56: {  	v4 =	vld [tilespmem:s23+$0x6440]  }
0x57: {  	v2 =	vld [tilespmem:s23+$0x6450]  }
0x58: {  	v1 =	vld [tilespmem:s23+$0x6460]  }
0x59: {  	v0 =	vld [tilespmem:s23+$0x6470]  }
0x5a: {  	v12 =	vld [tilespmem:s23+$0x400]  }
0x5b: {  	v13 =	vld [tilespmem:s23+$0x410]  }
0x5c: {  	v10 =	vld [tilespmem:s23+$0x420]  }
0x5d: {  	v8 =	vld [tilespmem:s23+$0x430]  }
0x5e: {  	v9 =	vld [tilespmem:s23+$0x440]  }
0x5f: {  	v6 =	vld [tilespmem:s23+$0x450];
	v12 =	vadd.f32 v7, v12  }
0x60: {  	s17 =	simm.s32 $0x200;
	v11 =	vadd.f32 v11, v13;
	v7 =	vld [tilespmem:s23+$0x460]  }
.LBB2_3:
0x61: {  	p0 =	sne.s32 s17, $0xBE00;
	v12 =	vmul.f32 $1.442695020e+00, v12;
	v5 =	vadd.f32 v5, v10;
	v10 =	vld [tilespmem:s23+$0x470]  }
0x62: {  	v11 =	vmul.f32 $1.442695020e+00, v11;
	v3 =	vadd.f32 v3, v8  }
0x63: {  	v5 =	vmul.f32 $1.442695020e+00, v5;
	v4 =	vadd.f32 v4, v9;
	(erf) = vpow2.f32 v12  }
0x64: {  	v3 =	vmul.f32 $1.442695020e+00, v3;
	v2 =	vadd.f32 v2, v6;
	(erf) = vpow2.f32 v11  }
0x65: {  	v4 =	vmul.f32 $1.442695020e+00, v4;
	v1 =	vadd.f32 v1, v7;
	(erf) = vpow2.f32 v5  }
0x66: {  	v2 =	vmul.f32 $1.442695020e+00, v2;
	v0 =	vadd.f32 v0, v10;
	(erf) = vpow2.f32 v3  }
0x67: {  	v1 =	vmul.f32 $1.442695020e+00, v1;
	(erf) = vpow2.f32 v4  }
0x68: {  	v0 =	vmul.f32 $1.442695020e+00, v0;
	(erf) = vpow2.f32 v2  }
0x69: {  	(erf) = vpow2.f32 v1  }
0x6a: {  	(erf) = vpow2.f32 v0;
	_ =	sdelay $0x1  }
0x6b: {  	v0 =	vpop (erf)  }
0x6c: {  	v3 =	vadd.f32 $1.000000000e+00, v0;
	v1 =	vpop (erf)  }
0x6d: {  	v4 =	vadd.f32 $1.000000000e+00, v1;
	v2 =	vpop (erf)  }
0x6e: {  	v5 =	vadd.f32 $1.000000000e+00, v2;
	(erf) = vrcp.f32 v3;
	v0 =	vpop (erf)  }
0x6f: {  	v3 =	vadd.f32 $1.000000000e+00, v0;
	(erf) = vrcp.f32 v4;
	v1 =	vpop (erf)  }
0x70: {  	v4 =	vadd.f32 $1.000000000e+00, v1;
	(erf) = vrcp.f32 v5;
	v2 =	vpop (erf)  }
0x71: {  	v2 =	vadd.f32 $1.000000000e+00, v2;
	(erf) = vrcp.f32 v3;
	v0 =	vpop (erf)  }
0x72: {  	v0 =	vadd.f32 $1.000000000e+00, v0;
	(erf) = vrcp.f32 v4;
	v1 =	vpop (erf)  }
0x73: {  	v1 =	vadd.f32 $1.000000000e+00, v1;
	(erf) = vrcp.f32 v2  }
0x74: {  	s18 =	sshra.s32 s17, $0x2;
	(erf) = vrcp.f32 v0  }
0x75: {  	v6 =	vld [tilespmem:s18+$0x6400];
	(erf) = vrcp.f32 v1  }
0x76: {  	v7 =	vld [tilespmem:s18+$0x6410]  }
0x77: {  	v5 =	vld [tilespmem:s18+$0x6420];
	v0 =	vpop (erf)  }
0x78: {  	v3 =	vld [tilespmem:s18+$0x6430];
	v11 =	vadd.f32 v0, v0;
	v1 =	vpop (erf)  }
0x79: {  	v4 =	vld [tilespmem:s18+$0x6440];
	v8 =	vadd.f32 v1, v1;
	v1 =	vpop (erf)  }
0x7a: {  	v2 =	vld [tilespmem:s18+$0x6450];
	v9 =	vsub.f32 $1.000000000e+00, v11;
	v10 =	vadd.f32 v1, v1;
	v0 =	vpop (erf)  }
0x7b: {  	v1 =	vld [tilespmem:s18+$0x6460];
	v8 =	vsub.f32 $1.000000000e+00, v8;
	v11 =	vadd.f32 v0, v0;
	v12 =	vpop (erf)  }
0x7c: {  	v0 =	vld [tilespmem:s18+$0x6470];
	[tilespmem:s23+$0x400] =	vst v9;
	v9 =	vsub.f32 $1.000000000e+00, v10;
	v10 =	vadd.f32 v12, v12;
	v12 =	vpop (erf)  }
0x7d: {  	v13 =	vld [tilespmem:s18+$0x400];
	[tilespmem:s23+$0x410] =	vst v8;
	v8 =	vsub.f32 $1.000000000e+00, v11;
	v11 =	vadd.f32 v12, v12;
	v12 =	vpop (erf)  }
0x7e: {  	v14 =	vld [tilespmem:s18+$0x410];
	[tilespmem:s23+$0x420] =	vst v9;
	v9 =	vsub.f32 $1.000000000e+00, v10;
	v12 =	vadd.f32 v12, v12;
	v15 =	vpop (erf)  }
.Ltmp0:
0x7f: {  	v10 =	vld [tilespmem:s18+$0x420];
	[tilespmem:s23+$0x430] =	vst v8;
	v11 =	vsub.f32 $1.000000000e+00, v11;
	v15 =	vadd.f32 v15, v15;
	(pc) =	sbr.rel @p0 .LBB2_3-.Ltmp0, $4  }
0x80: {  	v8 =	vld [tilespmem:s18+$0x430];
	[tilespmem:s23+$0x440] =	vst v9;
	v16 =	vsub.f32 $1.000000000e+00, v12  }
0x81: {  	v9 =	vld [tilespmem:s18+$0x440];
	[tilespmem:s23+$0x450] =	vst v11;
	v15 =	vsub.f32 $1.000000000e+00, v15  }
0x82: {  	v12 =	vadd.f32 v6, v13;
	v6 =	vld [tilespmem:s18+$0x450];
	[tilespmem:s23+$0x460] =	vst v16  }
0x83: {  	s17 =	sadd.s32 $0x200, s17;
	v11 =	vadd.f32 v7, v14;
	v7 =	vld [tilespmem:s18+$0x460];
	[tilespmem:s23+$0x470] =	vst v15;
	s23 =	smov.u32 s18  }
0x84: {  	v12 =	vmul.f32 $1.442695020e+00, v12;
	v5 =	vadd.f32 v5, v10;
	v10 =	vld [tilespmem:s23+$0x470]  }
0x85: {  	v11 =	vmul.f32 $1.442695020e+00, v11  }
0x86: {  	(erf) = vpow2.f32 v12  }
0x87: {  	v3 =	vadd.f32 v3, v8;
	v4 =	vadd.f32 v4, v9;
	(erf) = vpow2.f32 v11  }
0x88: {  	v5 =	vmul.f32 $1.442695020e+00, v5;
	v2 =	vadd.f32 v2, v6  }
0x89: {  	v3 =	vmul.f32 $1.442695020e+00, v3;
	v4 =	vmul.f32 $1.442695020e+00, v4;
	v0 =	vadd.f32 v0, v10  }
0x8a: {  	v1 =	vadd.f32 v1, v7;
	(erf) = vpow2.f32 v5;
	v2 =	vmul.f32 $1.442695020e+00, v2  }
0x8b: {  	(erf) = vpow2.f32 v3;
	v0 =	vmul.f32 $1.442695020e+00, v0  }
0x8c: {  	v1 =	vmul.f32 $1.442695020e+00, v1;
	(erf) = vpow2.f32 v4  }
0x8d: {  	(erf) = vpow2.f32 v2  }
0x8e: {  	(erf) = vpow2.f32 v1  }
0x8f: {  	(erf) = vpow2.f32 v0;
	v0 =	vpop (erf)  }
0x90: {  	v0 =	vadd.f32 $1.000000000e+00, v0;
	v1 =	vpop (erf)  }
0x91: {  	v1 =	vadd.f32 $1.000000000e+00, v1;
	_ =	sdelay $0x1  }
0x92: {  	v2 =	vpop (erf)  }
0x93: {  	v2 =	vadd.f32 $1.000000000e+00, v2;
	(erf) = vrcp.f32 v0;
	v0 =	vpop (erf)  }
0x94: {  	(erf) = vrcp.f32 v1;
	v0 =	vadd.f32 $1.000000000e+00, v0;
	v1 =	vpop (erf)  }
0x95: {  	v1 =	vadd.f32 $1.000000000e+00, v1;
	_ =	sdelay $0x1  }
0x96: {  	(erf) = vrcp.f32 v2;
	v2 =	vpop (erf)  }
0x97: {  	v2 =	vadd.f32 $1.000000000e+00, v2;
	(erf) = vrcp.f32 v0;
	v0 =	vpop (erf)  }
0x98: {  	(erf) = vrcp.f32 v1;
	v0 =	vadd.f32 $1.000000000e+00, v0;
	v1 =	vpop (erf)  }
0x99: {  	(erf) = vrcp.f32 v2;
	v1 =	vadd.f32 $1.000000000e+00, v1  }
0x9a: {  	(erf) = vrcp.f32 v0  }
0x9b: {  	(erf) = vrcp.f32 v1;
	_ =	sdelay $0x1  }
0x9c: {  	v0 =	vpop (erf)  }
0x9d: {  	v0 =	vadd.f32 v0, v0;
	v1 =	vpop (erf)  }
0x9e: {  	v1 =	vadd.f32 v1, v1;
	v2 =	vpop (erf)  }
0x9f: {  	v0 =	vsub.f32 $1.000000000e+00, v0;
	v2 =	vadd.f32 v2, v2;
	v3 =	vpop (erf)  }
0xa0: {  	v1 =	vsub.f32 $1.000000000e+00, v1;
	v3 =	vadd.f32 v3, v3;
	v4 =	vpop (erf)  }
0xa1: {  	[tilespmem:s23+$0x400] =	vst v0;
	v0 =	vsub.f32 $1.000000000e+00, v2;
	v2 =	vadd.f32 v4, v4;
	v4 =	vpop (erf)  }
0xa2: {  	[tilespmem:s23+$0x410] =	vst v1;
	v1 =	vsub.f32 $1.000000000e+00, v3;
	v3 =	vadd.f32 v4, v4;
	v4 =	vpop (erf)  }
0xa3: {  	[tilespmem:s23+$0x420] =	vst v0;
	v0 =	vsub.f32 $1.000000000e+00, v2;
	v2 =	vadd.f32 v4, v4;
	v4 =	vpop (erf)  }
0xa4: {  	[tilespmem:s23+$0x430] =	vst v1;
	v1 =	vsub.f32 $1.000000000e+00, v3;
	v3 =	vadd.f32 v4, v4  }
0xa5: {  	[tilespmem:s23+$0x440] =	vst v0;
	v0 =	vsub.f32 $1.000000000e+00, v2  }
0xa6: {  	[tilespmem:s23+$0x450] =	vst v1;
	v1 =	vsub.f32 $1.000000000e+00, v3  }
0xa7: {  	[tilespmem:s23+$0x460] =	vst v0  }
0xa8: {  	s17 =	rddreg [dreg:$0xc];
	[tilespmem:s23+$0x470] =	vst v1;
	s23 =	smul.u32 $0x180, s24  }
0xa9: {  	[spmem:s2] =	stream.indirect.scatter.add.f32 [tilespmem:s30], [sflag:$0x5], $0x80, s26, s29, $0xb8;
	v63 =	vld [tilespmem:$0x0]  }
0xaa: {  	s17 =	sadd.s32 s23, s17  }
0xab: {  	s17 =	sshrl.u32 s17, $0x3  }
0xac: {  	s19 =	simm.s32 $0x0;
	s18 =	sadd.s32 s1, s17  }
0xad: {  	[tilespmem:s19], [sflag:$0x1] =	stream.linear.gather [hbm4b:s18+s19], $0x60, $0x38;
	v63 =	vld [tilespmem:$0x0]  }
0xae: {  	s18 =	sadd.s32 s5, s17  }
0xaf: {  	[tilespmem:s25], [sflag:$0x1] =	stream.linear.gather [hbm4b:s18+s19], $0x60, $0x38;
	v63 =	vld [tilespmem:$0x0]  }
0xb0: {  	s17 =	sadd.s32 s6, s17  }
0xb1: {  	[tilespmem:s15], [sflag:$0x1] =	stream.linear.gather [hbm4b:s17+s19], $0x60, $0x38;
	v63 =	vld [tilespmem:$0x0]  }
0xb2: {  	_ =	swait.ge [sflag:s28], $0x60  }
0xb3: {  	[sflag:s28] =	ssyncset.done $0x0  }
0xb4: {  	[sflag:s28] =	ssyncadd.s32 $0xFFFFFFA0  }
0xb5: {  	_ =	swait.ge [sflag:s28], $0x60  }
0xb6: {  	[sflag:s28] =	ssyncset.done $0x0  }
0xb7: {  	[sflag:s28] =	ssyncadd.s32 $0xFFFFFFA0  }
0xb8: {  	_ =	swait.ge [sflag:s28], $0x60  }
0xb9: {  	[sflag:s28] =	ssyncset.done $0x0  }
0xba: {  	[sflag:s28] =	ssyncadd.s32 $0xFFFFFFA0  }
0xbb: {  	_ =	swait.ge [sflag:s16], $0x3000  }
0xbc: {  	[sflag:s16] =	ssyncset.done $0x0  }
0xbd: {  	[sflag:s16] =	ssyncadd.s32 $0xFFFFD000  }
0xbe: {  	[tilespmem:s30], [sflag:$0x3] =	stream.indirect.gather [hbm4b:s7+s29], $0x80, s19, s29, $0xb8;
	v63 =	vld [tilespmem:$0x0]  }
0xbf: {  	_ = 	snop  }
0xc0: {  	[tilespmem:s31], [sflag:$0x3] =	stream.indirect.gather [hbm4b:s8+s29], $0x80, s25, s29, $0xb8;
	v63 =	vld [tilespmem:$0x0]  }
0xc1: {  	_ =	swait.ge [sflag:s21], $0x3000  }
0xc2: {  	[sflag:s21] =	ssyncset.done $0x0  }
0xc3: {  	[sflag:s21] =	ssyncadd.s32 $0xFFFFD000  }
0xc4: {  	_ =	swait.ge [sflag:s21], $0x3000  }
0xc5: {  	[sflag:s21] =	ssyncset.done $0x0  }
0xc6: {  	s17 =	simm.s32 $0x0;
	[sflag:s21] =	ssyncadd.s32 $0xFFFFD000  }
0xc7: {  	v7 =	vld [tilespmem:s17+$0x9400]  }
0xc8: {  	v11 =	vld [tilespmem:s17+$0x9410]  }
0xc9: {  	v5 =	vld [tilespmem:s17+$0x9420]  }
0xca: {  	v3 =	vld [tilespmem:s17+$0x9430]  }
0xcb: {  	v4 =	vld [tilespmem:s17+$0x9440]  }
0xcc: {  	v2 =	vld [tilespmem:s17+$0x9450]  }
0xcd: {  	v1 =	vld [tilespmem:s17+$0x9460]  }
0xce: {  	v0 =	vld [tilespmem:s17+$0x9470]  }
0xcf: {  	v12 =	vld [tilespmem:s17+$0x3400]  }
0xd0: {  	v13 =	vld [tilespmem:s17+$0x3410]  }
0xd1: {  	v10 =	vld [tilespmem:s17+$0x3420]  }
0xd2: {  	v8 =	vld [tilespmem:s17+$0x3430]  }
0xd3: {  	v9 =	vld [tilespmem:s17+$0x3440]  }
0xd4: {  	v6 =	vld [tilespmem:s17+$0x3450];
	v12 =	vadd.f32 v7, v12  }
0xd5: {  	s18 =	simm.s32 $0x200;
	v11 =	vadd.f32 v11, v13;
	v7 =	vld [tilespmem:s17+$0x3460]  }
.LBB2_5:
0xd6: {  	p0 =	sne.s32 s18, $0xBE00;
	v12 =	vmul.f32 $1.442695020e+00, v12;
	v5 =	vadd.f32 v5, v10;
	v10 =	vld [tilespmem:s17+$0x3470]  }
0xd7: {  	v11 =	vmul.f32 $1.442695020e+00, v11;
	v3 =	vadd.f32 v3, v8  }
0xd8: {  	v5 =	vmul.f32 $1.442695020e+00, v5;
	v4 =	vadd.f32 v4, v9;
	(erf) = vpow2.f32 v12  }
0xd9: {  	v3 =	vmul.f32 $1.442695020e+00, v3;
	v2 =	vadd.f32 v2, v6;
	(erf) = vpow2.f32 v11  }
0xda: {  	v4 =	vmul.f32 $1.442695020e+00, v4;
	v1 =	vadd.f32 v1, v7;
	(erf) = vpow2.f32 v5  }
0xdb: {  	v2 =	vmul.f32 $1.442695020e+00, v2;
	v0 =	vadd.f32 v0, v10;
	(erf) = vpow2.f32 v3  }
0xdc: {  	v1 =	vmul.f32 $1.442695020e+00, v1;
	(erf) = vpow2.f32 v4  }
0xdd: {  	v0 =	vmul.f32 $1.442695020e+00, v0;
	(erf) = vpow2.f32 v2  }
0xde: {  	(erf) = vpow2.f32 v1  }
0xdf: {  	(erf) = vpow2.f32 v0;
	_ =	sdelay $0x1  }
0xe0: {  	v0 =	vpop (erf)  }
0xe1: {  	v3 =	vadd.f32 $1.000000000e+00, v0;
	v1 =	vpop (erf)  }
0xe2: {  	v4 =	vadd.f32 $1.000000000e+00, v1;
	v2 =	vpop (erf)  }
0xe3: {  	v5 =	vadd.f32 $1.000000000e+00, v2;
	(erf) = vrcp.f32 v3;
	v0 =	vpop (erf)  }
0xe4: {  	v3 =	vadd.f32 $1.000000000e+00, v0;
	(erf) = vrcp.f32 v4;
	v1 =	vpop (erf)  }
0xe5: {  	v4 =	vadd.f32 $1.000000000e+00, v1;
	(erf) = vrcp.f32 v5;
	v2 =	vpop (erf)  }
0xe6: {  	v2 =	vadd.f32 $1.000000000e+00, v2;
	(erf) = vrcp.f32 v3;
	v0 =	vpop (erf)  }
0xe7: {  	v0 =	vadd.f32 $1.000000000e+00, v0;
	(erf) = vrcp.f32 v4;
	v1 =	vpop (erf)  }
0xe8: {  	v1 =	vadd.f32 $1.000000000e+00, v1;
	(erf) = vrcp.f32 v2  }
0xe9: {  	s19 =	sshra.s32 s18, $0x2;
	(erf) = vrcp.f32 v0  }
0xea: {  	v6 =	vld [tilespmem:s19+$0x9400];
	(erf) = vrcp.f32 v1  }
0xeb: {  	v7 =	vld [tilespmem:s19+$0x9410]  }
0xec: {  	v5 =	vld [tilespmem:s19+$0x9420];
	v0 =	vpop (erf)  }
0xed: {  	v3 =	vld [tilespmem:s19+$0x9430];
	v11 =	vadd.f32 v0, v0;
	v1 =	vpop (erf)  }
0xee: {  	v4 =	vld [tilespmem:s19+$0x9440];
	v8 =	vadd.f32 v1, v1;
	v1 =	vpop (erf)  }
0xef: {  	v2 =	vld [tilespmem:s19+$0x9450];
	v9 =	vsub.f32 $1.000000000e+00, v11;
	v10 =	vadd.f32 v1, v1;
	v0 =	vpop (erf)  }
0xf0: {  	v1 =	vld [tilespmem:s19+$0x9460];
	v8 =	vsub.f32 $1.000000000e+00, v8;
	v11 =	vadd.f32 v0, v0;
	v12 =	vpop (erf)  }
0xf1: {  	v0 =	vld [tilespmem:s19+$0x9470];
	[tilespmem:s17+$0x3400] =	vst v9;
	v9 =	vsub.f32 $1.000000000e+00, v10;
	v10 =	vadd.f32 v12, v12;
	v12 =	vpop (erf)  }
0xf2: {  	v13 =	vld [tilespmem:s19+$0x3400];
	[tilespmem:s17+$0x3410] =	vst v8;
	v8 =	vsub.f32 $1.000000000e+00, v11;
	v11 =	vadd.f32 v12, v12;
	v12 =	vpop (erf)  }
0xf3: {  	v14 =	vld [tilespmem:s19+$0x3410];
	[tilespmem:s17+$0x3420] =	vst v9;
	v9 =	vsub.f32 $1.000000000e+00, v10;
	v12 =	vadd.f32 v12, v12;
	v15 =	vpop (erf)  }
.Ltmp1:
0xf4: {  	v10 =	vld [tilespmem:s19+$0x3420];
	[tilespmem:s17+$0x3430] =	vst v8;
	v11 =	vsub.f32 $1.000000000e+00, v11;
	v15 =	vadd.f32 v15, v15;
	(pc) =	sbr.rel @p0 .LBB2_5-.Ltmp1, $4  }
0xf5: {  	v8 =	vld [tilespmem:s19+$0x3430];
	[tilespmem:s17+$0x3440] =	vst v9;
	v16 =	vsub.f32 $1.000000000e+00, v12  }
0xf6: {  	v9 =	vld [tilespmem:s19+$0x3440];
	[tilespmem:s17+$0x3450] =	vst v11;
	v15 =	vsub.f32 $1.000000000e+00, v15  }
0xf7: {  	v12 =	vadd.f32 v6, v13;
	v6 =	vld [tilespmem:s19+$0x3450];
	[tilespmem:s17+$0x3460] =	vst v16  }
0xf8: {  	s18 =	sadd.s32 $0x200, s18;
	v11 =	vadd.f32 v7, v14;
	v7 =	vld [tilespmem:s19+$0x3460];
	[tilespmem:s17+$0x3470] =	vst v15;
	s17 =	smov.u32 s19  }
0xf9: {  	v12 =	vmul.f32 $1.442695020e+00, v12;
	v5 =	vadd.f32 v5, v10;
	v10 =	vld [tilespmem:s17+$0x3470]  }
0xfa: {  	v11 =	vmul.f32 $1.442695020e+00, v11  }
0xfb: {  	(erf) = vpow2.f32 v12  }
0xfc: {  	v3 =	vadd.f32 v3, v8;
	v4 =	vadd.f32 v4, v9;
	(erf) = vpow2.f32 v11  }
0xfd: {  	v5 =	vmul.f32 $1.442695020e+00, v5;
	v2 =	vadd.f32 v2, v6  }
0xfe: {  	v3 =	vmul.f32 $1.442695020e+00, v3;
	v4 =	vmul.f32 $1.442695020e+00, v4;
	v0 =	vadd.f32 v0, v10  }
0xff: {  	v1 =	vadd.f32 v1, v7;
	(erf) = vpow2.f32 v5;
	v2 =	vmul.f32 $1.442695020e+00, v2  }
0x100: {  	(erf) = vpow2.f32 v3;
	v0 =	vmul.f32 $1.442695020e+00, v0  }
0x101: {  	v1 =	vmul.f32 $1.442695020e+00, v1;
	(erf) = vpow2.f32 v4  }
0x102: {  	(erf) = vpow2.f32 v2  }
0x103: {  	(erf) = vpow2.f32 v1  }
0x104: {  	(erf) = vpow2.f32 v0;
	v0 =	vpop (erf)  }
0x105: {  	v0 =	vadd.f32 $1.000000000e+00, v0;
	v1 =	vpop (erf)  }
0x106: {  	v1 =	vadd.f32 $1.000000000e+00, v1;
	_ =	sdelay $0x1  }
0x107: {  	v2 =	vpop (erf)  }
0x108: {  	v2 =	vadd.f32 $1.000000000e+00, v2;
	(erf) = vrcp.f32 v0;
	v0 =	vpop (erf)  }
0x109: {  	(erf) = vrcp.f32 v1;
	v0 =	vadd.f32 $1.000000000e+00, v0;
	v1 =	vpop (erf)  }
0x10a: {  	v1 =	vadd.f32 $1.000000000e+00, v1;
	_ =	sdelay $0x1  }
0x10b: {  	(erf) = vrcp.f32 v2;
	v2 =	vpop (erf)  }
0x10c: {  	v2 =	vadd.f32 $1.000000000e+00, v2;
	(erf) = vrcp.f32 v0;
	v0 =	vpop (erf)  }
0x10d: {  	(erf) = vrcp.f32 v1;
	v0 =	vadd.f32 $1.000000000e+00, v0;
	v1 =	vpop (erf)  }
0x10e: {  	(erf) = vrcp.f32 v2;
	v1 =	vadd.f32 $1.000000000e+00, v1  }
0x10f: {  	(erf) = vrcp.f32 v0  }
0x110: {  	(erf) = vrcp.f32 v1;
	_ =	sdelay $0x1  }
0x111: {  	v0 =	vpop (erf)  }
0x112: {  	v0 =	vadd.f32 v0, v0;
	v1 =	vpop (erf)  }
0x113: {  	v1 =	vadd.f32 v1, v1;
	v2 =	vpop (erf)  }
0x114: {  	v0 =	vsub.f32 $1.000000000e+00, v0;
	v2 =	vadd.f32 v2, v2;
	v3 =	vpop (erf)  }
0x115: {  	v1 =	vsub.f32 $1.000000000e+00, v1;
	v3 =	vadd.f32 v3, v3;
	v4 =	vpop (erf)  }
0x116: {  	[tilespmem:s17+$0x3400] =	vst v0;
	v0 =	vsub.f32 $1.000000000e+00, v2;
	v2 =	vadd.f32 v4, v4;
	v4 =	vpop (erf)  }
0x117: {  	[tilespmem:s17+$0x3410] =	vst v1;
	v1 =	vsub.f32 $1.000000000e+00, v3;
	v3 =	vadd.f32 v4, v4;
	v4 =	vpop (erf)  }
0x118: {  	[tilespmem:s17+$0x3420] =	vst v0;
	v0 =	vsub.f32 $1.000000000e+00, v2;
	v2 =	vadd.f32 v4, v4;
	v4 =	vpop (erf)  }
0x119: {  	[tilespmem:s17+$0x3430] =	vst v1;
	v1 =	vsub.f32 $1.000000000e+00, v3;
	v3 =	vadd.f32 v4, v4  }
0x11a: {  	[tilespmem:s17+$0x3440] =	vst v0;
	v0 =	vsub.f32 $1.000000000e+00, v2  }
0x11b: {  	[tilespmem:s17+$0x3450] =	vst v1;
	v1 =	vsub.f32 $1.000000000e+00, v3  }
0x11c: {  	s19 =	rddreg [dreg:$0xd];
	[tilespmem:s17+$0x3460] =	vst v0  }
0x11d: {  	[tilespmem:s17+$0x3470] =	vst v1;
	s17 =	sadd.s32 s23, s19  }
0x11e: {  	[spmem:s2] =	stream.indirect.scatter.add.f32 [tilespmem:s12], [sflag:$0x6], $0x80, s9, s29, $0xb8;
	v63 =	vld [tilespmem:$0x0]  }
0x11f: {  	s17 =	sshrl.u32 s17, $0x3  }
0x120: {  	s19 =	simm.s32 $0x0;
	s18 =	sadd.s32 s1, s17  }
0x121: {  	[tilespmem:s0], [sflag:$0x2] =	stream.linear.gather [hbm4b:s18+s19], $0x60, $0x38;
	v63 =	vld [tilespmem:$0x0]  }
0x122: {  	s18 =	sadd.s32 s5, s17  }
0x123: {  	[tilespmem:s3], [sflag:$0x2] =	stream.linear.gather [hbm4b:s18+s19], $0x60, $0x38;
	v63 =	vld [tilespmem:$0x0]  }
0x124: {  	s17 =	sadd.s32 s6, s17  }
0x125: {  	[tilespmem:s22], [sflag:$0x2] =	stream.linear.gather [hbm4b:s17+s19], $0x60, $0x38;
	v63 =	vld [tilespmem:$0x0]  }
0x126: {  	_ =	swait.ge [sflag:s11], $0x60  }
0x127: {  	[sflag:s11] =	ssyncset.done $0x0  }
0x128: {  	[sflag:s11] =	ssyncadd.s32 $0xFFFFFFA0  }
0x129: {  	_ =	swait.ge [sflag:s11], $0x60  }
0x12a: {  	[sflag:s11] =	ssyncset.done $0x0  }
0x12b: {  	[sflag:s11] =	ssyncadd.s32 $0xFFFFFFA0  }
0x12c: {  	_ =	swait.ge [sflag:s11], $0x60  }
0x12d: {  	[sflag:s11] =	ssyncset.done $0x0  }
0x12e: {  	[sflag:s11] =	ssyncadd.s32 $0xFFFFFFA0  }
0x12f: {  	_ =	swait.ge [sflag:s10], $0x3000  }
0x130: {  	[sflag:s10] =	ssyncset.done $0x0  }
0x131: {  	[sflag:s10] =	ssyncadd.s32 $0xFFFFD000  }
0x132: {  	[tilespmem:s12], [sflag:$0x4] =	stream.indirect.gather [hbm4b:s7+s29], $0x80, s0, s29, $0xb8;
	v63 =	vld [tilespmem:$0x0]  }
0x133: {  	_ = 	snop  }
0x134: {  	[tilespmem:s13], [sflag:$0x4] =	stream.indirect.gather [hbm4b:s8+s29], $0x80, s3, s29, $0xb8;
	v63 =	vld [tilespmem:$0x0]  }
0x135: {  	_ =	swait.ge [sflag:s14], $0x3000  }
0x136: {  	[sflag:s14] =	ssyncset.done $0x0  }
0x137: {  	[sflag:s14] =	ssyncadd.s32 $0xFFFFD000  }
0x138: {  	_ =	swait.ge [sflag:s14], $0x3000  }
0x139: {  	[sflag:s14] =	ssyncset.done $0x0  }
0x13a: {  	s17 =	simm.s32 $0x0;
	[sflag:s14] =	ssyncadd.s32 $0xFFFFD000  }
0x13b: {  	v7 =	vld [tilespmem:s17+$0x6400]  }
0x13c: {  	v11 =	vld [tilespmem:s17+$0x6410]  }
0x13d: {  	v5 =	vld [tilespmem:s17+$0x6420]  }
0x13e: {  	v3 =	vld [tilespmem:s17+$0x6430]  }
0x13f: {  	v4 =	vld [tilespmem:s17+$0x6440]  }
0x140: {  	v2 =	vld [tilespmem:s17+$0x6450]  }
0x141: {  	v1 =	vld [tilespmem:s17+$0x6460]  }
0x142: {  	v0 =	vld [tilespmem:s17+$0x6470]  }
0x143: {  	v12 =	vld [tilespmem:s17+$0x400]  }
0x144: {  	v13 =	vld [tilespmem:s17+$0x410]  }
0x145: {  	v10 =	vld [tilespmem:s17+$0x420]  }
0x146: {  	v8 =	vld [tilespmem:s17+$0x430]  }
0x147: {  	v9 =	vld [tilespmem:s17+$0x440]  }
0x148: {  	v6 =	vld [tilespmem:s17+$0x450];
	v12 =	vadd.f32 v7, v12  }
0x149: {  	s18 =	simm.s32 $0x200;
	v11 =	vadd.f32 v11, v13;
	v7 =	vld [tilespmem:s17+$0x460]  }
.LBB2_7:
0x14a: {  	p0 =	sne.s32 s18, $0xBE00;
	v12 =	vmul.f32 $1.442695020e+00, v12;
	v5 =	vadd.f32 v5, v10;
	v10 =	vld [tilespmem:s17+$0x470]  }
0x14b: {  	v11 =	vmul.f32 $1.442695020e+00, v11;
	v3 =	vadd.f32 v3, v8  }
0x14c: {  	v5 =	vmul.f32 $1.442695020e+00, v5;
	v4 =	vadd.f32 v4, v9;
	(erf) = vpow2.f32 v12  }
0x14d: {  	v3 =	vmul.f32 $1.442695020e+00, v3;
	v2 =	vadd.f32 v2, v6;
	(erf) = vpow2.f32 v11  }
0x14e: {  	v4 =	vmul.f32 $1.442695020e+00, v4;
	v1 =	vadd.f32 v1, v7;
	(erf) = vpow2.f32 v5  }
0x14f: {  	v2 =	vmul.f32 $1.442695020e+00, v2;
	v0 =	vadd.f32 v0, v10;
	(erf) = vpow2.f32 v3  }
0x150: {  	v1 =	vmul.f32 $1.442695020e+00, v1;
	(erf) = vpow2.f32 v4  }
0x151: {  	v0 =	vmul.f32 $1.442695020e+00, v0;
	(erf) = vpow2.f32 v2  }
0x152: {  	(erf) = vpow2.f32 v1  }
0x153: {  	(erf) = vpow2.f32 v0;
	_ =	sdelay $0x1  }
0x154: {  	v0 =	vpop (erf)  }
0x155: {  	v3 =	vadd.f32 $1.000000000e+00, v0;
	v1 =	vpop (erf)  }
0x156: {  	v4 =	vadd.f32 $1.000000000e+00, v1;
	v2 =	vpop (erf)  }
0x157: {  	v5 =	vadd.f32 $1.000000000e+00, v2;
	(erf) = vrcp.f32 v3;
	v0 =	vpop (erf)  }
0x158: {  	v3 =	vadd.f32 $1.000000000e+00, v0;
	(erf) = vrcp.f32 v4;
	v1 =	vpop (erf)  }
0x159: {  	v4 =	vadd.f32 $1.000000000e+00, v1;
	(erf) = vrcp.f32 v5;
	v2 =	vpop (erf)  }
0x15a: {  	v2 =	vadd.f32 $1.000000000e+00, v2;
	(erf) = vrcp.f32 v3;
	v0 =	vpop (erf)  }
0x15b: {  	v0 =	vadd.f32 $1.000000000e+00, v0;
	(erf) = vrcp.f32 v4;
	v1 =	vpop (erf)  }
0x15c: {  	v1 =	vadd.f32 $1.000000000e+00, v1;
	(erf) = vrcp.f32 v2  }
0x15d: {  	s19 =	sshra.s32 s18, $0x2;
	(erf) = vrcp.f32 v0  }
0x15e: {  	v6 =	vld [tilespmem:s19+$0x6400];
	(erf) = vrcp.f32 v1  }
0x15f: {  	v7 =	vld [tilespmem:s19+$0x6410]  }
0x160: {  	v5 =	vld [tilespmem:s19+$0x6420];
	v0 =	vpop (erf)  }
0x161: {  	v3 =	vld [tilespmem:s19+$0x6430];
	v11 =	vadd.f32 v0, v0;
	v1 =	vpop (erf)  }
0x162: {  	v4 =	vld [tilespmem:s19+$0x6440];
	v8 =	vadd.f32 v1, v1;
	v1 =	vpop (erf)  }
0x163: {  	v2 =	vld [tilespmem:s19+$0x6450];
	v9 =	vsub.f32 $1.000000000e+00, v11;
	v10 =	vadd.f32 v1, v1;
	v0 =	vpop (erf)  }
0x164: {  	v1 =	vld [tilespmem:s19+$0x6460];
	v8 =	vsub.f32 $1.000000000e+00, v8;
	v11 =	vadd.f32 v0, v0;
	v12 =	vpop (erf)  }
0x165: {  	v0 =	vld [tilespmem:s19+$0x6470];
	[tilespmem:s17+$0x400] =	vst v9;
	v9 =	vsub.f32 $1.000000000e+00, v10;
	v10 =	vadd.f32 v12, v12;
	v12 =	vpop (erf)  }
0x166: {  	v13 =	vld [tilespmem:s19+$0x400];
	[tilespmem:s17+$0x410] =	vst v8;
	v8 =	vsub.f32 $1.000000000e+00, v11;
	v11 =	vadd.f32 v12, v12;
	v12 =	vpop (erf)  }
0x167: {  	v14 =	vld [tilespmem:s19+$0x410];
	[tilespmem:s17+$0x420] =	vst v9;
	v9 =	vsub.f32 $1.000000000e+00, v10;
	v12 =	vadd.f32 v12, v12;
	v15 =	vpop (erf)  }
.Ltmp2:
0x168: {  	v10 =	vld [tilespmem:s19+$0x420];
	[tilespmem:s17+$0x430] =	vst v8;
	v11 =	vsub.f32 $1.000000000e+00, v11;
	v15 =	vadd.f32 v15, v15;
	(pc) =	sbr.rel @p0 .LBB2_7-.Ltmp2, $4  }
0x169: {  	v8 =	vld [tilespmem:s19+$0x430];
	[tilespmem:s17+$0x440] =	vst v9;
	v16 =	vsub.f32 $1.000000000e+00, v12  }
0x16a: {  	v9 =	vld [tilespmem:s19+$0x440];
	[tilespmem:s17+$0x450] =	vst v11;
	v15 =	vsub.f32 $1.000000000e+00, v15  }
0x16b: {  	v12 =	vadd.f32 v6, v13;
	v6 =	vld [tilespmem:s19+$0x450];
	[tilespmem:s17+$0x460] =	vst v16  }
0x16c: {  	s18 =	sadd.s32 $0x200, s18;
	v11 =	vadd.f32 v7, v14;
	v7 =	vld [tilespmem:s19+$0x460];
	[tilespmem:s17+$0x470] =	vst v15;
	s17 =	smov.u32 s19  }
0x16d: {  	v12 =	vmul.f32 $1.442695020e+00, v12;
	v5 =	vadd.f32 v5, v10;
	v10 =	vld [tilespmem:s17+$0x470]  }
0x16e: {  	v11 =	vmul.f32 $1.442695020e+00, v11  }
0x16f: {  	(erf) = vpow2.f32 v12  }
0x170: {  	v3 =	vadd.f32 v3, v8;
	v4 =	vadd.f32 v4, v9;
	(erf) = vpow2.f32 v11  }
0x171: {  	v5 =	vmul.f32 $1.442695020e+00, v5;
	v2 =	vadd.f32 v2, v6  }
0x172: {  	v3 =	vmul.f32 $1.442695020e+00, v3;
	v4 =	vmul.f32 $1.442695020e+00, v4;
	v0 =	vadd.f32 v0, v10  }
0x173: {  	v1 =	vadd.f32 v1, v7;
	(erf) = vpow2.f32 v5;
	v2 =	vmul.f32 $1.442695020e+00, v2  }
0x174: {  	(erf) = vpow2.f32 v3;
	v0 =	vmul.f32 $1.442695020e+00, v0  }
0x175: {  	v1 =	vmul.f32 $1.442695020e+00, v1;
	(erf) = vpow2.f32 v4  }
0x176: {  	(erf) = vpow2.f32 v2  }
0x177: {  	(erf) = vpow2.f32 v1  }
0x178: {  	(erf) = vpow2.f32 v0;
	v0 =	vpop (erf)  }
0x179: {  	v0 =	vadd.f32 $1.000000000e+00, v0;
	v1 =	vpop (erf)  }
0x17a: {  	v1 =	vadd.f32 $1.000000000e+00, v1;
	_ =	sdelay $0x1  }
0x17b: {  	v2 =	vpop (erf)  }
0x17c: {  	v2 =	vadd.f32 $1.000000000e+00, v2;
	(erf) = vrcp.f32 v0;
	v0 =	vpop (erf)  }
0x17d: {  	(erf) = vrcp.f32 v1;
	v0 =	vadd.f32 $1.000000000e+00, v0;
	v1 =	vpop (erf)  }
0x17e: {  	v1 =	vadd.f32 $1.000000000e+00, v1;
	_ =	sdelay $0x1  }
0x17f: {  	(erf) = vrcp.f32 v2;
	v2 =	vpop (erf)  }
0x180: {  	v2 =	vadd.f32 $1.000000000e+00, v2;
	(erf) = vrcp.f32 v0;
	v0 =	vpop (erf)  }
0x181: {  	(erf) = vrcp.f32 v1;
	v0 =	vadd.f32 $1.000000000e+00, v0;
	v1 =	vpop (erf)  }
0x182: {  	(erf) = vrcp.f32 v2;
	v1 =	vadd.f32 $1.000000000e+00, v1  }
0x183: {  	(erf) = vrcp.f32 v0  }
0x184: {  	(erf) = vrcp.f32 v1;
	_ =	sdelay $0x1  }
0x185: {  	v0 =	vpop (erf)  }
0x186: {  	v0 =	vadd.f32 v0, v0;
	v1 =	vpop (erf)  }
0x187: {  	v1 =	vadd.f32 v1, v1;
	v2 =	vpop (erf)  }
0x188: {  	v0 =	vsub.f32 $1.000000000e+00, v0;
	v2 =	vadd.f32 v2, v2;
	v3 =	vpop (erf)  }
0x189: {  	v1 =	vsub.f32 $1.000000000e+00, v1;
	v3 =	vadd.f32 v3, v3;
	v4 =	vpop (erf)  }
0x18a: {  	[tilespmem:s17+$0x400] =	vst v0;
	v0 =	vsub.f32 $1.000000000e+00, v2;
	v2 =	vadd.f32 v4, v4;
	v4 =	vpop (erf)  }
0x18b: {  	[tilespmem:s17+$0x410] =	vst v1;
	v1 =	vsub.f32 $1.000000000e+00, v3;
	v3 =	vadd.f32 v4, v4;
	v4 =	vpop (erf)  }
0x18c: {  	[tilespmem:s17+$0x420] =	vst v0;
	v0 =	vsub.f32 $1.000000000e+00, v2;
	v2 =	vadd.f32 v4, v4;
	v4 =	vpop (erf)  }
0x18d: {  	[tilespmem:s17+$0x430] =	vst v1;
	v1 =	vsub.f32 $1.000000000e+00, v3;
	v3 =	vadd.f32 v4, v4  }
0x18e: {  	[tilespmem:s17+$0x440] =	vst v0;
	v0 =	vsub.f32 $1.000000000e+00, v2  }
0x18f: {  	[tilespmem:s17+$0x450] =	vst v1;
	v1 =	vsub.f32 $1.000000000e+00, v3  }
0x190: {  	s19 =	rddreg [dreg:$0xe];
	[tilespmem:s17+$0x460] =	vst v0  }
0x191: {  	[tilespmem:s17+$0x470] =	vst v1;
	s17 =	sadd.s32 s23, s19  }
0x192: {  	[spmem:s2] =	stream.indirect.scatter.add.f32 [tilespmem:s30], [sflag:$0x5], $0x80, s15, s29, $0xb8;
	v63 =	vld [tilespmem:$0x0]  }
0x193: {  	s17 =	sshrl.u32 s17, $0x3  }
0x194: {  	s19 =	simm.s32 $0x0;
	s18 =	sadd.s32 s1, s17  }
0x195: {  	[tilespmem:s19], [sflag:$0x1] =	stream.linear.gather [hbm4b:s18+s19], $0x60, $0x38;
	v63 =	vld [tilespmem:$0x0]  }
0x196: {  	s18 =	sadd.s32 s5, s17  }
0x197: {  	[tilespmem:s25], [sflag:$0x1] =	stream.linear.gather [hbm4b:s18+s19], $0x60, $0x38;
	v63 =	vld [tilespmem:$0x0]  }
0x198: {  	s17 =	sadd.s32 s6, s17  }
0x199: {  	[tilespmem:s26], [sflag:$0x1] =	stream.linear.gather [hbm4b:s17+s19], $0x60, $0x38;
	v63 =	vld [tilespmem:$0x0]  }
0x19a: {  	_ =	swait.ge [sflag:s28], $0x60  }
0x19b: {  	[sflag:s28] =	ssyncset.done $0x0  }
0x19c: {  	[sflag:s28] =	ssyncadd.s32 $0xFFFFFFA0  }
0x19d: {  	_ =	swait.ge [sflag:s28], $0x60  }
0x19e: {  	[sflag:s28] =	ssyncset.done $0x0  }
0x19f: {  	[sflag:s28] =	ssyncadd.s32 $0xFFFFFFA0  }
0x1a0: {  	_ =	swait.ge [sflag:s28], $0x60  }
0x1a1: {  	[sflag:s28] =	ssyncset.done $0x0  }
0x1a2: {  	[sflag:s28] =	ssyncadd.s32 $0xFFFFFFA0  }
0x1a3: {  	_ =	swait.ge [sflag:s16], $0x3000  }
0x1a4: {  	[sflag:s16] =	ssyncset.done $0x0  }
0x1a5: {  	[sflag:s16] =	ssyncadd.s32 $0xFFFFD000  }
0x1a6: {  	[tilespmem:s30], [sflag:$0x3] =	stream.indirect.gather [hbm4b:s7+s29], $0x80, s19, s29, $0xb8;
	v63 =	vld [tilespmem:$0x0]  }
0x1a7: {  	_ = 	snop  }
0x1a8: {  	[tilespmem:s31], [sflag:$0x3] =	stream.indirect.gather [hbm4b:s8+s29], $0x80, s25, s29, $0xb8;
	v63 =	vld [tilespmem:$0x0]  }
0x1a9: {  	_ =	swait.ge [sflag:s21], $0x3000  }
0x1aa: {  	[sflag:s21] =	ssyncset.done $0x0  }
0x1ab: {  	[sflag:s21] =	ssyncadd.s32 $0xFFFFD000  }
0x1ac: {  	_ =	swait.ge [sflag:s21], $0x3000  }
0x1ad: {  	[sflag:s21] =	ssyncset.done $0x0  }
0x1ae: {  	s17 =	simm.s32 $0x0;
	[sflag:s21] =	ssyncadd.s32 $0xFFFFD000  }
0x1af: {  	v7 =	vld [tilespmem:s17+$0x9400]  }
0x1b0: {  	v11 =	vld [tilespmem:s17+$0x9410]  }
0x1b1: {  	v5 =	vld [tilespmem:s17+$0x9420]  }
0x1b2: {  	v3 =	vld [tilespmem:s17+$0x9430]  }
0x1b3: {  	v4 =	vld [tilespmem:s17+$0x9440]  }
0x1b4: {  	v2 =	vld [tilespmem:s17+$0x9450]  }
0x1b5: {  	v1 =	vld [tilespmem:s17+$0x9460]  }
0x1b6: {  	v0 =	vld [tilespmem:s17+$0x9470]  }
0x1b7: {  	v12 =	vld [tilespmem:s17+$0x3400]  }
0x1b8: {  	v13 =	vld [tilespmem:s17+$0x3410]  }
0x1b9: {  	v10 =	vld [tilespmem:s17+$0x3420]  }
0x1ba: {  	v8 =	vld [tilespmem:s17+$0x3430]  }
0x1bb: {  	v9 =	vld [tilespmem:s17+$0x3440]  }
0x1bc: {  	v6 =	vld [tilespmem:s17+$0x3450];
	v12 =	vadd.f32 v7, v12  }
0x1bd: {  	s18 =	simm.s32 $0x200;
	v11 =	vadd.f32 v11, v13;
	v7 =	vld [tilespmem:s17+$0x3460]  }
.LBB2_9:
0x1be: {  	p0 =	sne.s32 s18, $0xBE00;
	v12 =	vmul.f32 $1.442695020e+00, v12;
	v5 =	vadd.f32 v5, v10;
	v10 =	vld [tilespmem:s17+$0x3470]  }
0x1bf: {  	v11 =	vmul.f32 $1.442695020e+00, v11;
	v3 =	vadd.f32 v3, v8  }
0x1c0: {  	v5 =	vmul.f32 $1.442695020e+00, v5;
	v4 =	vadd.f32 v4, v9;
	(erf) = vpow2.f32 v12  }
0x1c1: {  	v3 =	vmul.f32 $1.442695020e+00, v3;
	v2 =	vadd.f32 v2, v6;
	(erf) = vpow2.f32 v11  }
0x1c2: {  	v4 =	vmul.f32 $1.442695020e+00, v4;
	v1 =	vadd.f32 v1, v7;
	(erf) = vpow2.f32 v5  }
0x1c3: {  	v2 =	vmul.f32 $1.442695020e+00, v2;
	v0 =	vadd.f32 v0, v10;
	(erf) = vpow2.f32 v3  }
0x1c4: {  	v1 =	vmul.f32 $1.442695020e+00, v1;
	(erf) = vpow2.f32 v4  }
0x1c5: {  	v0 =	vmul.f32 $1.442695020e+00, v0;
	(erf) = vpow2.f32 v2  }
0x1c6: {  	(erf) = vpow2.f32 v1  }
0x1c7: {  	(erf) = vpow2.f32 v0;
	_ =	sdelay $0x1  }
0x1c8: {  	v0 =	vpop (erf)  }
0x1c9: {  	v3 =	vadd.f32 $1.000000000e+00, v0;
	v1 =	vpop (erf)  }
0x1ca: {  	v4 =	vadd.f32 $1.000000000e+00, v1;
	v2 =	vpop (erf)  }
0x1cb: {  	v5 =	vadd.f32 $1.000000000e+00, v2;
	(erf) = vrcp.f32 v3;
	v0 =	vpop (erf)  }
0x1cc: {  	v3 =	vadd.f32 $1.000000000e+00, v0;
	(erf) = vrcp.f32 v4;
	v1 =	vpop (erf)  }
0x1cd: {  	v4 =	vadd.f32 $1.000000000e+00, v1;
	(erf) = vrcp.f32 v5;
	v2 =	vpop (erf)  }
0x1ce: {  	v2 =	vadd.f32 $1.000000000e+00, v2;
	(erf) = vrcp.f32 v3;
	v0 =	vpop (erf)  }
0x1cf: {  	v0 =	vadd.f32 $1.000000000e+00, v0;
	(erf) = vrcp.f32 v4;
	v1 =	vpop (erf)  }
0x1d0: {  	v1 =	vadd.f32 $1.000000000e+00, v1;
	(erf) = vrcp.f32 v2  }
0x1d1: {  	s19 =	sshra.s32 s18, $0x2;
	(erf) = vrcp.f32 v0  }
0x1d2: {  	v6 =	vld [tilespmem:s19+$0x9400];
	(erf) = vrcp.f32 v1  }
0x1d3: {  	v7 =	vld [tilespmem:s19+$0x9410]  }
0x1d4: {  	v5 =	vld [tilespmem:s19+$0x9420];
	v0 =	vpop (erf)  }
0x1d5: {  	v3 =	vld [tilespmem:s19+$0x9430];
	v11 =	vadd.f32 v0, v0;
	v1 =	vpop (erf)  }
0x1d6: {  	v4 =	vld [tilespmem:s19+$0x9440];
	v8 =	vadd.f32 v1, v1;
	v1 =	vpop (erf)  }
0x1d7: {  	v2 =	vld [tilespmem:s19+$0x9450];
	v9 =	vsub.f32 $1.000000000e+00, v11;
	v10 =	vadd.f32 v1, v1;
	v0 =	vpop (erf)  }
0x1d8: {  	v1 =	vld [tilespmem:s19+$0x9460];
	v8 =	vsub.f32 $1.000000000e+00, v8;
	v11 =	vadd.f32 v0, v0;
	v12 =	vpop (erf)  }
0x1d9: {  	v0 =	vld [tilespmem:s19+$0x9470];
	[tilespmem:s17+$0x3400] =	vst v9;
	v9 =	vsub.f32 $1.000000000e+00, v10;
	v10 =	vadd.f32 v12, v12;
	v12 =	vpop (erf)  }
0x1da: {  	v13 =	vld [tilespmem:s19+$0x3400];
	[tilespmem:s17+$0x3410] =	vst v8;
	v8 =	vsub.f32 $1.000000000e+00, v11;
	v11 =	vadd.f32 v12, v12;
	v12 =	vpop (erf)  }
0x1db: {  	v14 =	vld [tilespmem:s19+$0x3410];
	[tilespmem:s17+$0x3420] =	vst v9;
	v9 =	vsub.f32 $1.000000000e+00, v10;
	v12 =	vadd.f32 v12, v12;
	v15 =	vpop (erf)  }
.Ltmp3:
0x1dc: {  	v10 =	vld [tilespmem:s19+$0x3420];
	[tilespmem:s17+$0x3430] =	vst v8;
	v11 =	vsub.f32 $1.000000000e+00, v11;
	v15 =	vadd.f32 v15, v15;
	(pc) =	sbr.rel @p0 .LBB2_9-.Ltmp3, $4  }
0x1dd: {  	v8 =	vld [tilespmem:s19+$0x3430];
	[tilespmem:s17+$0x3440] =	vst v9;
	v16 =	vsub.f32 $1.000000000e+00, v12  }
0x1de: {  	v9 =	vld [tilespmem:s19+$0x3440];
	[tilespmem:s17+$0x3450] =	vst v11;
	v15 =	vsub.f32 $1.000000000e+00, v15  }
0x1df: {  	v12 =	vadd.f32 v6, v13;
	v6 =	vld [tilespmem:s19+$0x3450];
	[tilespmem:s17+$0x3460] =	vst v16  }
0x1e0: {  	s18 =	sadd.s32 $0x200, s18;
	v11 =	vadd.f32 v7, v14;
	v7 =	vld [tilespmem:s19+$0x3460];
	[tilespmem:s17+$0x3470] =	vst v15;
	s17 =	smov.u32 s19  }
0x1e1: {  	v12 =	vmul.f32 $1.442695020e+00, v12;
	v5 =	vadd.f32 v5, v10;
	v36 =	vld [tilespmem:s17+$0x3470]  }
0x1e2: {  	v11 =	vmul.f32 $1.442695020e+00, v11;
	v3 =	vadd.f32 v3, v8  }
0x1e3: {  	v5 =	vmul.f32 $1.442695020e+00, v5;
	v4 =	vadd.f32 v4, v9;
	(erf) = vpow2.f32 v12  }
0x1e4: {  	v3 =	vmul.f32 $1.442695020e+00, v3;
	v2 =	vadd.f32 v2, v6;
	(erf) = vpow2.f32 v11  }
0x1e5: {  	v4 =	vmul.f32 $1.442695020e+00, v4;
	v1 =	vadd.f32 v1, v7;
	(erf) = vpow2.f32 v5  }
0x1e6: {  	v2 =	vmul.f32 $1.442695020e+00, v2;
	v0 =	vadd.f32 v0, v36;
	(erf) = vpow2.f32 v3  }
0x1e7: {  	v1 =	vmul.f32 $1.442695020e+00, v1;
	(erf) = vpow2.f32 v4  }
0x1e8: {  	v0 =	vmul.f32 $1.442695020e+00, v0;
	(erf) = vpow2.f32 v2  }
0x1e9: {  	(erf) = vpow2.f32 v1  }
0x1ea: {  	(erf) = vpow2.f32 v0;
	_ =	sdelay $0x1  }
0x1eb: {  	v37 =	vpop (erf)  }
0x1ec: {  	v0 =	vadd.f32 $1.000000000e+00, v37;
	v38 =	vpop (erf)  }
0x1ed: {  	v1 =	vadd.f32 $1.000000000e+00, v38;
	v39 =	vpop (erf)  }
0x1ee: {  	v2 =	vadd.f32 $1.000000000e+00, v39;
	(erf) = vrcp.f32 v0;
	v40 =	vpop (erf)  }
0x1ef: {  	v0 =	vadd.f32 $1.000000000e+00, v40;
	(erf) = vrcp.f32 v1;
	v41 =	vpop (erf)  }
0x1f0: {  	v1 =	vadd.f32 $1.000000000e+00, v41;
	(erf) = vrcp.f32 v2;
	v42 =	vpop (erf)  }
0x1f1: {  	v2 =	vadd.f32 $1.000000000e+00, v42;
	(erf) = vrcp.f32 v0;
	v43 =	vpop (erf)  }
0x1f2: {  	v0 =	vadd.f32 $1.000000000e+00, v43;
	(erf) = vrcp.f32 v1;
	v44 =	vpop (erf)  }
0x1f3: {  	v1 =	vadd.f32 $1.000000000e+00, v44;
	(erf) = vrcp.f32 v2  }
0x1f4: {  	(erf) = vrcp.f32 v0  }
0x1f5: {  	(erf) = vrcp.f32 v1;
	_ =	sdelay $0x1  }
0x1f6: {  	v45 =	vpop (erf)  }
0x1f7: {  	v0 =	vadd.f32 v45, v45;
	v46 =	vpop (erf)  }
0x1f8: {  	v1 =	vadd.f32 v46, v46;
	v47 =	vpop (erf)  }
0x1f9: {  	v0 =	vsub.f32 $1.000000000e+00, v0;
	v2 =	vadd.f32 v47, v47;
	v48 =	vpop (erf)  }
0x1fa: {  	v1 =	vsub.f32 $1.000000000e+00, v1;
	v3 =	vadd.f32 v48, v48;
	v49 =	vpop (erf)  }
0x1fb: {  	[tilespmem:s17+$0x3400] =	vst v0;
	v50 =	vsub.f32 $1.000000000e+00, v2;
	v51 =	vadd.f32 v49, v49;
	v52 =	vpop (erf)  }
0x1fc: {  	[tilespmem:s17+$0x3410] =	vst v1;
	v53 =	vsub.f32 $1.000000000e+00, v3;
	v54 =	vadd.f32 v52, v52;
	v55 =	vpop (erf)  }
0x1fd: {  	[tilespmem:s17+$0x3420] =	vst v50;
	v56 =	vsub.f32 $1.000000000e+00, v51;
	v57 =	vadd.f32 v55, v55;
	v58 =	vpop (erf)  }
0x1fe: {  	[tilespmem:s17+$0x3430] =	vst v53;
	v59 =	vsub.f32 $1.000000000e+00, v54;
	v60 =	vadd.f32 v58, v58  }
0x1ff: {  	[tilespmem:s17+$0x3440] =	vst v56;
	v61 =	vsub.f32 $1.000000000e+00, v57  }
0x200: {  	[tilespmem:s17+$0x3450] =	vst v59;
	v62 =	vsub.f32 $1.000000000e+00, v60  }
0x201: {  	s19 =	sadd.s32 s23, s20;
	[tilespmem:s17+$0x3460] =	vst v61  }
0x202: {  	s24 =	sadd.s32 $0x1, s24;
	[tilespmem:s17+$0x3470] =	vst v62;
	s17 =	sshrl.u32 s19, $0x3  }
0x203: {  	[spmem:s2] =	stream.indirect.scatter.add.f32 [tilespmem:s12], [sflag:$0x6], $0x80, s22, s29, $0xb8;
	v63 =	vld [tilespmem:$0x0]  }
0x204: {  	p0 =	sne.s32 s24, $0x1B;
	s18 =	sadd.s32 s1, s17  }
0x205: {  	[tilespmem:s0], [sflag:$0x2] =	stream.linear.gather [hbm4b:s18+s4], $0x60, $0x38;
	v63 =	vld [tilespmem:$0x0]  }
.Ltmp4:
0x206: {  	_ = 	snop;
	(pc) =	sbr.rel @p0 .LBB2_2-.Ltmp4, $4  }
0x207: {  	s23 =	sadd.s32 s5, s17  }
0x208: {  	[tilespmem:s3], [sflag:$0x2] =	stream.linear.gather [hbm4b:s23+s4], $0x60, $0x38;
	v63 =	vld [tilespmem:$0x0]  }
0x209: {  	s17 =	sadd.s32 s6, s17  }
0x20a: {  	[tilespmem:s9], [sflag:$0x2] =	stream.linear.gather [hbm4b:s17+s4], $0x60, $0x38;
	v63 =	vld [tilespmem:$0x0]  }
0x20b: {  	_ =	swait.ge [sflag:s14], $0x3000  }
0x20c: {  	[sflag:s14] =	ssyncset.done $0x0  }
0x20d: {  	[sflag:s14] =	ssyncadd.s32 $0xFFFFD000  }
0x20e: {  	_ =	swait.ge [sflag:s14], $0x3000  }
0x20f: {  	[sflag:s14] =	ssyncset.done $0x0  }
0x210: {  	[sflag:s14] =	ssyncadd.s32 $0xFFFFD000  }
0x211: {  	_ =	swait.ge [sflag:s10], $0x3000  }
0x212: {  	[sflag:s10] =	ssyncset.done $0x0  }
0x213: {  	[sflag:s10] =	ssyncadd.s32 $0xFFFFD000  }
0x214: {  	_ =	swait.ge [sflag:s11], $0x60  }
0x215: {  	[sflag:s11] =	ssyncset.done $0x0  }
0x216: {  	[sflag:s11] =	ssyncadd.s32 $0xFFFFFFA0  }
0x217: {  	_ =	swait.ge [sflag:s11], $0x60  }
0x218: {  	[sflag:s11] =	ssyncset.done $0x0  }
0x219: {  	[sflag:s11] =	ssyncadd.s32 $0xFFFFFFA0  }
0x21a: {  	_ =	swait.ge [sflag:s11], $0x60  }
0x21b: {  	[sflag:s11] =	ssyncset.done $0x0  }
0x21c: {  	[sflag:s11] =	ssyncadd.s32 $0xFFFFFFA0  }
0x21d: {  	[bflag:$0x0] =	sbarrier.arrive $0xFFFF  }
0x21e: {  	s18 =	rddreg [dreg:$0x5]  }
0x21f: {  	s17 =	rddreg [dreg:$0xf]  }
0x220: {  	s23 =	simm.s32 $0x7;
	s19 =	rddreg [dreg:$0x11]  }
0x221: {  	[hbm:s17], [sflag:s18] =	dma.local [spmem:s19], $0x2780  }
0x222: {  	_ =	swait.ge [sflag:s23], $0x2780  }
0x223: {  	s24 =	rddreg [dreg:$0x12]  }
0x224: {  	s17 =	rddreg [dreg:$0x10];
	s24 =	sadd.s32 $0x1, s24  }
0x225: {  	p0 =	sne.s32 s24, s17  }
.Ltmp5:
0x226: {  	_ = 	snop;
	(pc) =	sbr.rel @p0 .LBB2_1-.Ltmp5, $3  }
0x227: {  	_ =	sdelay $0x1  }
0x228: {  	[sflag:s23] =	ssyncset.done $0x0  }
0x229: {  	[sflag:s23] =	ssyncadd.s32 $0xFFFFD880  }
0x22a: {  	_ =	sfence.sel $0x180000  }
0x22b: {  	[bflag:$0x0] =	sbarrier.arrive $0xFFFF  }
0x22c: {  	_ =	strace $0x90000047  }
0x22d: {  	s0 =	stileid.u32;
	[bflag:$0x2] =	sbarrier.arrive $0xFFFF  }
0x22e: {  	p0 =	sne.s32 s0, $0x0;
	s0 =	rddreg [dreg:$0x3]  }
0x22f: {  	s0 =	sadd.s32 @!p0 $0x100000, s0  }
0x230: {  	[sflag:s0] =	ssyncadd.tile.s32 @!p0 $0x1;
	_ =	shalt  }
.Lfunc_end2:
_tile_overlayer_lowered:
.L_overlay_start_2:
0x231: {  	(tag) =	ssettag $0x2  }
0x232: {  	s0 =	rddreg [dreg:$0x0];
	s2 =	stileid.u32  }
0x233: {  	s1 =	rddreg [dreg:$0x1];
	p0 =	sne.s32 s2, $0x0  }
0x234: {  	s3 =	rddreg [dreg:$0x2];
	[bflag:$0x3] =	sbarrier.arrive $0xFFFF;
	s2 =	simm.s32 @!p0 $0x1C07  }
0x235: {  	[timem:s3], [sflag:s2] =	dma.local @!p0 [hbm:s0], s1  }
0x236: {  	s0 =	simm.s32 @!p0 $0x7  }
0x237: {  	_ =	swait.ge @!p0 [sflag:s0], s1  }
0x238: {  	s1 =	ssub.s32 @!p0 $0x0, s1;
	[sflag:s0] =	ssyncset.done @!p0 $0x0  }
0x239: {  	[sflag:s0] =	ssyncadd.s32 @!p0 s1  }
0x23a: {  	[bflag:$0x3] =	sbarrier.arrive $0xFFFF  }
0x23b: {  	_ =	shalt  }

</sc_bundles>
